<compile_context>
chip_gen: v7x
topology: tpu7x:2x2x1
jax: 0.10.2.dev20260603
libtpu: 0.0.44.dev20260713+nightly
codegen_flags: <defaults>
</compile_context>

<pallas_src>
import functools

import jax
import jax.numpy as jnp
from jax import lax
from jax.experimental import pallas as pl
from jax.experimental.pallas import tpu as pltpu
from jax.experimental.pallas import tpu_sc as plsc

N_NODES = 100000
IN_C = 128
OUT_C = 128
DENSE_OUT = 256
EMB_DIM = 64

SC_ROWS = 12800
TC_ROWS = N_NODES - SC_ROWS
SLICE_R = 4360
NSLICE = TC_ROWS // SLICE_R
NBUF = 4

NC = 2
NS = 16
NW = NC * NS
ROWS_PER_W = SC_ROWS // NW
NGRP = IN_C // 16
W_ELEMS = ROWS_PER_W * IN_C
SC_START_ELEM = TC_ROWS * IN_C


def _sc_partial_body(x_hbm, out_hbm, buf, accv, sem):
    wid = lax.axis_index("s") * NC + lax.axis_index("c")
    base = SC_START_ELEM + wid * W_ELEMS
    pltpu.async_copy(x_hbm.at[pl.ds(base, W_ELEMS)], buf, sem).wait()

    def row_body(r, carry):
        return tuple(
            carry[c] + buf[pl.ds(r * IN_C + c * 16, 16)]
            for c in range(NGRP))

    acc = lax.fori_loop(0, ROWS_PER_W,
                        row_body,
                        tuple(jnp.zeros((16,), jnp.float32)
                              for _ in range(NGRP)),
                        unroll=5)
    for c in range(NGRP):
        accv[pl.ds(c * 16, 16)] = acc[c]
    pltpu.sync_copy(accv, out_hbm.at[pl.ds(wid * IN_C, IN_C)])


_sc_partial = functools.partial(
    pl.kernel,
    mesh=plsc.VectorSubcoreMesh(core_axis_name="c", subcore_axis_name="s"),
    out_type=jax.ShapeDtypeStruct((NW * IN_C,), jnp.float32),
    scratch_types=[
        pltpu.VMEM((W_ELEMS,), jnp.float32),
        pltpu.VMEM((IN_C,), jnp.float32),
        pltpu.SemaphoreType.DMA,
    ],
)(_sc_partial_body)


def _tc_colsum_kernel(x_hbm, out_ref, bufs, sems):
    def start(k):
        return pltpu.make_async_copy(
            x_hbm.at[pl.ds(k * SLICE_R, SLICE_R), :], bufs.at[k % NBUF],
            sems.at[k % NBUF])

    for k in range(NBUF):
        start(k).start()

    acc = jnp.zeros((1, IN_C), jnp.float32)
    for k in range(NSLICE):
        start(k).wait()
        acc = acc + jnp.sum(bufs[k % NBUF], axis=0, keepdims=True)
        if k + NBUF < NSLICE:
            start(k + NBUF).start()
    out_ref[...] = acc


def _finish_kernel(p_ref, t_ref, x0_ref, w0_ref, w1_ref, w2_ref, cb_ref,
                   dw_ref, db_ref, ew_ref, eb_ref, y_ref):
    inv_n = 1.0 / N_NODES
    colsum = jnp.sum(p_ref[...], axis=0, keepdims=True) + t_ref[...]
    colmean = colsum * inv_n
    x0 = x0_ref[0:1, :]
    w_mean = w0_ref[...] - w2_ref[...]
    w_corr = 18.0 * w2_ref[...] - 3.0 * w1_ref[...]
    dn = (((1,), (1,)), ((), ()))
    pooled = (
        jax.lax.dot_general(colmean, w_mean, dn,
                            preferred_element_type=jnp.float32)
        + inv_n * jax.lax.dot_general(x0, w_corr, dn,
                                      preferred_element_type=jnp.float32)
        + cb_ref[...]
    )
    h = jax.lax.dot_general(pooled, dw_ref[...], dn,
                            preferred_element_type=jnp.float32) + db_ref[...]
    y = jax.lax.dot_general(h, ew_ref[...], dn,
                            preferred_element_type=jnp.float32) + eb_ref[...]
    y_ref[...] = y


@jax.jit
def kernel(x, cheb_W0, cheb_W1, cheb_W2, cheb_b, dense_W, dense_b, emb_W,
           emb_b):
    sc_partials = _sc_partial(x.reshape(-1)).reshape(NW, IN_C)

    tc_partial = pl.pallas_call(
        _tc_colsum_kernel,
        grid=(1,),
        in_specs=[pl.BlockSpec(memory_space=pl.ANY)],
        out_specs=pl.BlockSpec((1, IN_C), lambda i: (0, 0)),
        out_shape=jax.ShapeDtypeStruct((1, IN_C), jnp.float32),
        scratch_shapes=[
            pltpu.VMEM((NBUF, SLICE_R, IN_C), jnp.float32),
            pltpu.SemaphoreType.DMA((NBUF,)),
        ],
    )(x)

    cb = cheb_b.reshape(1, OUT_C)
    db = dense_b.reshape(1, DENSE_OUT)
    eb = emb_b.reshape(1, EMB_DIM)

    full = lambda shape: pl.BlockSpec(shape, lambda i: (0,) * len(shape))
    return pl.pallas_call(
        _finish_kernel,
        grid=(1,),
        in_specs=[
            full((NW, IN_C)),
            full((1, IN_C)),
            pl.BlockSpec((8, IN_C), lambda i: (0, 0)),
            full((OUT_C, IN_C)),
            full((OUT_C, IN_C)),
            full((OUT_C, IN_C)),
            full((1, OUT_C)),
            full((DENSE_OUT, OUT_C)),
            full((1, DENSE_OUT)),
            full((EMB_DIM, DENSE_OUT)),
            full((1, EMB_DIM)),
        ],
        out_specs=pl.BlockSpec((1, EMB_DIM), lambda i: (0, 0)),
        out_shape=jax.ShapeDtypeStruct((1, EMB_DIM), jnp.float32),
    )(sc_partials, tc_partial, x, cheb_W0, cheb_W1, cheb_W2, cb, dense_W, db,
      emb_W, eb)

# --- scband reference (transcript-rebuilt; emitter-appended) ---
"""Pipeline reference for scband-default-gnn-74887049773805 (READ-ONLY COPY).

The authoritative reference and input builder live on the scoring server;
editing this copy changes nothing except your own understanding.
"""

import jax, jax.numpy as jnp
import numpy as np

N_NODES = 100000
K = 3
IN_C = 128
OUT_C = 128
DENSE_OUT = 256
EMB_DIM = 64


def setup_inputs(seed: int = 0) -> dict:
    key = jax.random.key(seed)
    ks = jax.random.split(key, 12)
    inp = {}
    inp["x"] = jax.random.normal(ks[0], (N_NODES, IN_C), dtype=jnp.float32)
    # ChebConv: K linear layers (no bias) + one shared bias, torch Linear layout [out, in]
    s1 = 1.0 / np.sqrt(IN_C)
    inp["cheb_W0"] = jax.random.uniform(ks[1], (OUT_C, IN_C), minval=-s1, maxval=s1, dtype=jnp.float32)
    inp["cheb_W1"] = jax.random.uniform(ks[2], (OUT_C, IN_C), minval=-s1, maxval=s1, dtype=jnp.float32)
    inp["cheb_W2"] = jax.random.uniform(ks[3], (OUT_C, IN_C), minval=-s1, maxval=s1, dtype=jnp.float32)
    inp["cheb_b"] = jax.random.uniform(ks[4], (OUT_C,), minval=-s1, maxval=s1, dtype=jnp.float32)
    s2 = 1.0 / np.sqrt(OUT_C)
    inp["dense_W"] = jax.random.uniform(ks[5], (DENSE_OUT, OUT_C), minval=-s2, maxval=s2, dtype=jnp.float32)
    inp["dense_b"] = jax.random.uniform(ks[6], (DENSE_OUT,), minval=-s2, maxval=s2, dtype=jnp.float32)
    s3 = 1.0 / np.sqrt(DENSE_OUT)
    inp["emb_W"] = jax.random.uniform(ks[7], (EMB_DIM, DENSE_OUT), minval=-s3, maxval=s3, dtype=jnp.float32)
    inp["emb_b"] = jax.random.uniform(ks[8], (EMB_DIM,), minval=-s3, maxval=s3, dtype=jnp.float32)
    return inp


def _scaled_laplacian_edges(num_nodes):
    # Faithful to the torch module: edge_index = torch.randint(low=0, high=1, size=(2, 2))
    # which is deterministically [[0, 0], [0, 0]] (two duplicate self-loop edges on node 0).
    edge_index = jnp.zeros((2, 2), dtype=jnp.int32)
    row, col = edge_index[0], edge_index[1]
    ew = jnp.ones((2,), dtype=jnp.float32)
    # get_laplacian with 'sym' normalization
    deg = jnp.zeros((num_nodes,), jnp.float32).at[row].add(ew)
    deg_inv_sqrt = jnp.where(deg > 0, 1.0 / jnp.sqrt(jnp.where(deg > 0, deg, 1.0)), 0.0)
    w_norm = deg_inv_sqrt[row] * ew * deg_inv_sqrt[col]
    loop = jnp.arange(num_nodes, dtype=jnp.int32)
    full_src = jnp.concatenate([row, loop])
    full_dst = jnp.concatenate([col, loop])
    # L = I - D^{-1/2} A D^{-1/2}
    w_full = jnp.concatenate([-w_norm, jnp.ones((num_nodes,), jnp.float32)])
    # ChebConv scaling with lambda_max=2.0: edge_weight *= 2/lambda_max (=1), then subtract 1 on diagonal
    loop_mask = (full_src == full_dst).astype(jnp.float32)
    w_full = w_full - loop_mask
    return full_src, full_dst, w_full


def reference(x, cheb_W0, cheb_W1, cheb_W2, cheb_b, dense_W, dense_b, emb_W, emb_b):
    n = x.shape[0]
    src, dst, w = _scaled_laplacian_edges(n)

    def lap_mul(h):
        msg = h[src] * w[:, None]
        return jnp.zeros_like(h).at[dst].add(msg)

    # ChebConv K=3
    Tx0 = x
    out = Tx0 @ cheb_W0.T
    Tx1 = lap_mul(Tx0)
    out = out + Tx1 @ cheb_W1.T
    Tx2 = 2.0 * lap_mul(Tx1) - Tx0
    out = out + Tx2 @ cheb_W2.T
    out = out + cheb_b
    # MeanAggregation with index=None -> mean over all nodes, shape [1, C]
    pooled = jnp.mean(out, axis=0, keepdims=True)
    h = pooled @ dense_W.T + dense_b
    y = h @ emb_W.T + emb_b
    return y

if __name__ == "__main__":
    import jax
    _d = setup_inputs()
    print(jax.jit(kernel)(*tuple(_d.values())))

</pallas_src>

<mosaic_0001>
#map = affine_map<(d0, d1) -> (0)>
module attributes {stable_mosaic.version = 14 : i64} {
  func.func @_sc_partial_body(%arg0: i32, %arg1: i32, %arg2: memref<12800000xf32, #tpu.memory_space<hbm>>, %arg3: memref<4096xf32, #tpu.memory_space<hbm>>, %arg4: memref<51200xf32, #tpu.memory_space<vmem>>, %arg5: memref<128xf32, #tpu.memory_space<vmem>>, %arg6: memref<!tpu.dma_semaphore, #tpu.memory_space<semaphore_mem>>) attributes {dimension_semantics = [#tpu.dimension_semantics<core_parallel>, #tpu.dimension_semantics<subcore_parallel>], iteration_bounds = array<i64: 2, 16>, scalar_prefetch = 0 : i64, scratch_operands = 3 : i64, tpu.core_type = #tpu.core_type<sc_vector_subcore>, window_params = [{transform_indices = #map}, {transform_indices = #map}]} {
    %mul3A = arith.constant 2 : i32
    %mul3A_0 = arith.muli %arg1, %mul3A : i32
    %add3A = arith.addi %mul3A_0, %arg0 : i32
    %mul3A_1 = arith.constant 51200 : i32
    %mul3A_2 = arith.muli %add3A, %mul3A_1 : i32
    %add3A_3 = arith.constant 11161600 : i32
    %add3A_4 = arith.addi %add3A_3, %mul3A_2 : i32
    %dma_start3A = tpu.memref_slice %arg2[%add3A_4] : memref<12800000xf32, #tpu.memory_space<hbm>> -> memref<51200xf32, #tpu.memory_space<hbm>>
    %dma_start3A_5 = tpu.memref_slice %arg2[%add3A_4] : memref<12800000xf32, #tpu.memory_space<hbm>> -> memref<51200xf32, #tpu.memory_space<hbm>>
    tpu.enqueue_dma source(%dma_start3A_5 : memref<51200xf32, #tpu.memory_space<hbm>>) target(%arg4 : memref<51200xf32, #tpu.memory_space<vmem>>) target_semaphore(%arg6 : memref<!tpu.dma_semaphore, #tpu.memory_space<semaphore_mem>>)
    %dma_wait3A = tpu.memref_slice %arg2[%add3A_4] : memref<12800000xf32, #tpu.memory_space<hbm>> -> memref<51200xf32, #tpu.memory_space<hbm>>
    %dma_wait3A_6 = tpu.memref_slice %arg2[%add3A_4] : memref<12800000xf32, #tpu.memory_space<hbm>> -> memref<51200xf32, #tpu.memory_space<hbm>>
    tpu.wait_dma2 semaphore(%arg6 : memref<!tpu.dma_semaphore, #tpu.memory_space<semaphore_mem>>) src(%dma_wait3A_6 : memref<51200xf32, #tpu.memory_space<hbm>>) dst(%arg4 : memref<51200xf32, #tpu.memory_space<vmem>>)
    %broadcast_in_dim3A = arith.constant 0.000000e+00 : f32
    %broadcast_in_dim3A_7 = vector.broadcast %broadcast_in_dim3A : f32 to vector<16xf32>
    %broadcast_in_dim3A_8 = arith.constant 0.000000e+00 : f32
    %broadcast_in_dim3A_9 = vector.broadcast %broadcast_in_dim3A_8 : f32 to vector<16xf32>
    %broadcast_in_dim3A_10 = arith.constant 0.000000e+00 : f32
    %broadcast_in_dim3A_11 = vector.broadcast %broadcast_in_dim3A_10 : f32 to vector<16xf32>
    %broadcast_in_dim3A_12 = arith.constant 0.000000e+00 : f32
    %broadcast_in_dim3A_13 = vector.broadcast %broadcast_in_dim3A_12 : f32 to vector<16xf32>
    %broadcast_in_dim3A_14 = arith.constant 0.000000e+00 : f32
    %broadcast_in_dim3A_15 = vector.broadcast %broadcast_in_dim3A_14 : f32 to vector<16xf32>
    %broadcast_in_dim3A_16 = arith.constant 0.000000e+00 : f32
    %broadcast_in_dim3A_17 = vector.broadcast %broadcast_in_dim3A_16 : f32 to vector<16xf32>
    %broadcast_in_dim3A_18 = arith.constant 0.000000e+00 : f32
    %broadcast_in_dim3A_19 = vector.broadcast %broadcast_in_dim3A_18 : f32 to vector<16xf32>
    %broadcast_in_dim3A_20 = arith.constant 0.000000e+00 : f32
    %broadcast_in_dim3A_21 = vector.broadcast %broadcast_in_dim3A_20 : f32 to vector<16xf32>
    %scan3A = arith.constant 0 : i32
    %scan3A_22 = arith.constant 400 : i32
    %scan3A_23 = arith.addi %scan3A, %scan3A_22 : i32
    %scan3A_24 = arith.constant 5 : i32
    %scan3A_25:8 = scf.for %scan3A_60 = %scan3A to %scan3A_23 step %scan3A_24 iter_args(%scan3A_61 = %broadcast_in_dim3A_7, %scan3A_62 = %broadcast_in_dim3A_9, %scan3A_63 = %broadcast_in_dim3A_11, %scan3A_64 = %broadcast_in_dim3A_13, %scan3A_65 = %broadcast_in_dim3A_15, %scan3A_66 = %broadcast_in_dim3A_17, %scan3A_67 = %broadcast_in_dim3A_19, %scan3A_68 = %broadcast_in_dim3A_21) -> (vector<16xf32>, vector<16xf32>, vector<16xf32>, vector<16xf32>, vector<16xf32>, vector<16xf32>, vector<16xf32>, vector<16xf32>)  : i32 {
      %mul3A_69 = arith.constant 128 : i32
      %mul3A_70 = arith.muli %scan3A_60, %mul3A_69 : i32
      %add3A_71 = arith.constant 0 : i32
      %add3A_72 = arith.addi %mul3A_70, %add3A_71 : i32
      %get3A = arith.index_cast %add3A_72 : i32 to index
      %get3A_73 = tpu.vector_load %arg4[%get3A] {strides = array<i32>} : memref<51200xf32, #tpu.memory_space<vmem>>, vector<16xf32>,
      %get3A_74 = vector.shape_cast %get3A_73 : vector<16xf32> to vector<16xf32>
      %add3A_75 = arith.addf %scan3A_61, %get3A_74 : vector<16xf32>
      %mul3A_76 = arith.constant 128 : i32
      %mul3A_77 = arith.muli %scan3A_60, %mul3A_76 : i32
      %add3A_78 = arith.constant 16 : i32
      %add3A_79 = arith.addi %mul3A_77, %add3A_78 : i32
      %get3A_80 = arith.index_cast %add3A_79 : i32 to index
      %get3A_81 = tpu.vector_load %arg4[%get3A_80] {strides = array<i32>} : memref<51200xf32, #tpu.memory_space<vmem>>, vector<16xf32>,
      %get3A_82 = vector.shape_cast %get3A_81 : vector<16xf32> to vector<16xf32>
      %add3A_83 = arith.addf %scan3A_62, %get3A_82 : vector<16xf32>
      %mul3A_84 = arith.constant 128 : i32
      %mul3A_85 = arith.muli %scan3A_60, %mul3A_84 : i32
      %add3A_86 = arith.constant 32 : i32
      %add3A_87 = arith.addi %mul3A_85, %add3A_86 : i32
      %get3A_88 = arith.index_cast %add3A_87 : i32 to index
      %get3A_89 = tpu.vector_load %arg4[%get3A_88] {strides = array<i32>} : memref<51200xf32, #tpu.memory_space<vmem>>, vector<16xf32>,
      %get3A_90 = vector.shape_cast %get3A_89 : vector<16xf32> to vector<16xf32>
      %add3A_91 = arith.addf %scan3A_63, %get3A_90 : vector<16xf32>
      %mul3A_92 = arith.constant 128 : i32
      %mul3A_93 = arith.muli %scan3A_60, %mul3A_92 : i32
      %add3A_94 = arith.constant 48 : i32
      %add3A_95 = arith.addi %mul3A_93, %add3A_94 : i32
      %get3A_96 = arith.index_cast %add3A_95 : i32 to index
      %get3A_97 = tpu.vector_load %arg4[%get3A_96] {strides = array<i32>} : memref<51200xf32, #tpu.memory_space<vmem>>, vector<16xf32>,
      %get3A_98 = vector.shape_cast %get3A_97 : vector<16xf32> to vector<16xf32>
      %add3A_99 = arith.addf %scan3A_64, %get3A_98 : vector<16xf32>
      %mul3A_100 = arith.constant 128 : i32
      %mul3A_101 = arith.muli %scan3A_60, %mul3A_100 : i32
      %add3A_102 = arith.constant 64 : i32
      %add3A_103 = arith.addi %mul3A_101, %add3A_102 : i32
      %get3A_104 = arith.index_cast %add3A_103 : i32 to index
      %get3A_105 = tpu.vector_load %arg4[%get3A_104] {strides = array<i32>} : memref<51200xf32, #tpu.memory_space<vmem>>, vector<16xf32>,
      %get3A_106 = vector.shape_cast %get3A_105 : vector<16xf32> to vector<16xf32>
      %add3A_107 = arith.addf %scan3A_65, %get3A_106 : vector<16xf32>
      %mul3A_108 = arith.constant 128 : i32
      %mul3A_109 = arith.muli %scan3A_60, %mul3A_108 : i32
      %add3A_110 = arith.constant 80 : i32
      %add3A_111 = arith.addi %mul3A_109, %add3A_110 : i32
      %get3A_112 = arith.index_cast %add3A_111 : i32 to index
      %get3A_113 = tpu.vector_load %arg4[%get3A_112] {strides = array<i32>} : memref<51200xf32, #tpu.memory_space<vmem>>, vector<16xf32>,
      %get3A_114 = vector.shape_cast %get3A_113 : vector<16xf32> to vector<16xf32>
      %add3A_115 = arith.addf %scan3A_66, %get3A_114 : vector<16xf32>
      %mul3A_116 = arith.constant 128 : i32
      %mul3A_117 = arith.muli %scan3A_60, %mul3A_116 : i32
      %add3A_118 = arith.constant 96 : i32
      %add3A_119 = arith.addi %mul3A_117, %add3A_118 : i32
      %get3A_120 = arith.index_cast %add3A_119 : i32 to index
      %get3A_121 = tpu.vector_load %arg4[%get3A_120] {strides = array<i32>} : memref<51200xf32, #tpu.memory_space<vmem>>, vector<16xf32>,
      %get3A_122 = vector.shape_cast %get3A_121 : vector<16xf32> to vector<16xf32>
      %add3A_123 = arith.addf %scan3A_67, %get3A_122 : vector<16xf32>
      %mul3A_124 = arith.constant 128 : i32
      %mul3A_125 = arith.muli %scan3A_60, %mul3A_124 : i32
      %add3A_126 = arith.constant 112 : i32
      %add3A_127 = arith.addi %mul3A_125, %add3A_126 : i32
      %get3A_128 = arith.index_cast %add3A_127 : i32 to index
      %get3A_129 = tpu.vector_load %arg4[%get3A_128] {strides = array<i32>} : memref<51200xf32, #tpu.memory_space<vmem>>, vector<16xf32>,
      %get3A_130 = vector.shape_cast %get3A_129 : vector<16xf32> to vector<16xf32>
      %add3A_131 = arith.addf %scan3A_68, %get3A_130 : vector<16xf32>
      %scan3A_132 = arith.constant 1 : i32
      %scan3A_133 = arith.addi %scan3A_60, %scan3A_132 : i32
      %mul3A_134 = arith.constant 128 : i32
      %mul3A_135 = arith.muli %scan3A_133, %mul3A_134 : i32
      %add3A_136 = arith.constant 0 : i32
      %add3A_137 = arith.addi %mul3A_135, %add3A_136 : i32
      %get3A_138 = arith.index_cast %add3A_137 : i32 to index
      %get3A_139 = tpu.vector_load %arg4[%get3A_138] {strides = array<i32>} : memref<51200xf32, #tpu.memory_space<vmem>>, vector<16xf32>,
      %get3A_140 = vector.shape_cast %get3A_139 : vector<16xf32> to vector<16xf32>
      %add3A_141 = arith.addf %add3A_75, %get3A_140 : vector<16xf32>
      %mul3A_142 = arith.constant 128 : i32
      %mul3A_143 = arith.muli %scan3A_133, %mul3A_142 : i32
      %add3A_144 = arith.constant 16 : i32
      %add3A_145 = arith.addi %mul3A_143, %add3A_144 : i32
      %get3A_146 = arith.index_cast %add3A_145 : i32 to index
      %get3A_147 = tpu.vector_load %arg4[%get3A_146] {strides = array<i32>} : memref<51200xf32, #tpu.memory_space<vmem>>, vector<16xf32>,
      %get3A_148 = vector.shape_cast %get3A_147 : vector<16xf32> to vector<16xf32>
      %add3A_149 = arith.addf %add3A_83, %get3A_148 : vector<16xf32>
      %mul3A_150 = arith.constant 128 : i32
      %mul3A_151 = arith.muli %scan3A_133, %mul3A_150 : i32
      %add3A_152 = arith.constant 32 : i32
      %add3A_153 = arith.addi %mul3A_151, %add3A_152 : i32
      %get3A_154 = arith.index_cast %add3A_153 : i32 to index
      %get3A_155 = tpu.vector_load %arg4[%get3A_154] {strides = array<i32>} : memref<51200xf32, #tpu.memory_space<vmem>>, vector<16xf32>,
      %get3A_156 = vector.shape_cast %get3A_155 : vector<16xf32> to vector<16xf32>
      %add3A_157 = arith.addf %add3A_91, %get3A_156 : vector<16xf32>
      %mul3A_158 = arith.constant 128 : i32
      %mul3A_159 = arith.muli %scan3A_133, %mul3A_158 : i32
      %add3A_160 = arith.constant 48 : i32
      %add3A_161 = arith.addi %mul3A_159, %add3A_160 : i32
      %get3A_162 = arith.index_cast %add3A_161 : i32 to index
      %get3A_163 = tpu.vector_load %arg4[%get3A_162] {strides = array<i32>} : memref<51200xf32, #tpu.memory_space<vmem>>, vector<16xf32>,
      %get3A_164 = vector.shape_cast %get3A_163 : vector<16xf32> to vector<16xf32>
      %add3A_165 = arith.addf %add3A_99, %get3A_164 : vector<16xf32>
      %mul3A_166 = arith.constant 128 : i32
      %mul3A_167 = arith.muli %scan3A_133, %mul3A_166 : i32
      %add3A_168 = arith.constant 64 : i32
      %add3A_169 = arith.addi %mul3A_167, %add3A_168 : i32
      %get3A_170 = arith.index_cast %add3A_169 : i32 to index
      %get3A_171 = tpu.vector_load %arg4[%get3A_170] {strides = array<i32>} : memref<51200xf32, #tpu.memory_space<vmem>>, vector<16xf32>,
      %get3A_172 = vector.shape_cast %get3A_171 : vector<16xf32> to vector<16xf32>
      %add3A_173 = arith.addf %add3A_107, %get3A_172 : vector<16xf32>
      %mul3A_174 = arith.constant 128 : i32
      %mul3A_175 = arith.muli %scan3A_133, %mul3A_174 : i32
      %add3A_176 = arith.constant 80 : i32
      %add3A_177 = arith.addi %mul3A_175, %add3A_176 : i32
      %get3A_178 = arith.index_cast %add3A_177 : i32 to index
      %get3A_179 = tpu.vector_load %arg4[%get3A_178] {strides = array<i32>} : memref<51200xf32, #tpu.memory_space<vmem>>, vector<16xf32>,
      %get3A_180 = vector.shape_cast %get3A_179 : vector<16xf32> to vector<16xf32>
      %add3A_181 = arith.addf %add3A_115, %get3A_180 : vector<16xf32>
      %mul3A_182 = arith.constant 128 : i32
      %mul3A_183 = arith.muli %scan3A_133, %mul3A_182 : i32
      %add3A_184 = arith.constant 96 : i32
      %add3A_185 = arith.addi %mul3A_183, %add3A_184 : i32
      %get3A_186 = arith.index_cast %add3A_185 : i32 to index
      %get3A_187 = tpu.vector_load %arg4[%get3A_186] {strides = array<i32>} : memref<51200xf32, #tpu.memory_space<vmem>>, vector<16xf32>,
      %get3A_188 = vector.shape_cast %get3A_187 : vector<16xf32> to vector<16xf32>
      %add3A_189 = arith.addf %add3A_123, %get3A_188 : vector<16xf32>
      %mul3A_190 = arith.constant 128 : i32
      %mul3A_191 = arith.muli %scan3A_133, %mul3A_190 : i32
      %add3A_192 = arith.constant 112 : i32
      %add3A_193 = arith.addi %mul3A_191, %add3A_192 : i32
      %get3A_194 = arith.index_cast %add3A_193 : i32 to index
      %get3A_195 = tpu.vector_load %arg4[%get3A_194] {strides = array<i32>} : memref<51200xf32, #tpu.memory_space<vmem>>, vector<16xf32>,
      %get3A_196 = vector.shape_cast %get3A_195 : vector<16xf32> to vector<16xf32>
      %add3A_197 = arith.addf %add3A_131, %get3A_196 : vector<16xf32>
      %scan3A_198 = arith.constant 2 : i32
      %scan3A_199 = arith.addi %scan3A_60, %scan3A_198 : i32
      %mul3A_200 = arith.constant 128 : i32
      %mul3A_201 = arith.muli %scan3A_199, %mul3A_200 : i32
      %add3A_202 = arith.constant 0 : i32
      %add3A_203 = arith.addi %mul3A_201, %add3A_202 : i32
      %get3A_204 = arith.index_cast %add3A_203 : i32 to index
      %get3A_205 = tpu.vector_load %arg4[%get3A_204] {strides = array<i32>} : memref<51200xf32, #tpu.memory_space<vmem>>, vector<16xf32>,
      %get3A_206 = vector.shape_cast %get3A_205 : vector<16xf32> to vector<16xf32>
      %add3A_207 = arith.addf %add3A_141, %get3A_206 : vector<16xf32>
      %mul3A_208 = arith.constant 128 : i32
      %mul3A_209 = arith.muli %scan3A_199, %mul3A_208 : i32
      %add3A_210 = arith.constant 16 : i32
      %add3A_211 = arith.addi %mul3A_209, %add3A_210 : i32
      %get3A_212 = arith.index_cast %add3A_211 : i32 to index
      %get3A_213 = tpu.vector_load %arg4[%get3A_212] {strides = array<i32>} : memref<51200xf32, #tpu.memory_space<vmem>>, vector<16xf32>,
      %get3A_214 = vector.shape_cast %get3A_213 : vector<16xf32> to vector<16xf32>
      %add3A_215 = arith.addf %add3A_149, %get3A_214 : vector<16xf32>
      %mul3A_216 = arith.constant 128 : i32
      %mul3A_217 = arith.muli %scan3A_199, %mul3A_216 : i32
      %add3A_218 = arith.constant 32 : i32
      %add3A_219 = arith.addi %mul3A_217, %add3A_218 : i32
      %get3A_220 = arith.index_cast %add3A_219 : i32 to index
      %get3A_221 = tpu.vector_load %arg4[%get3A_220] {strides = array<i32>} : memref<51200xf32, #tpu.memory_space<vmem>>, vector<16xf32>,
      %get3A_222 = vector.shape_cast %get3A_221 : vector<16xf32> to vector<16xf32>
      %add3A_223 = arith.addf %add3A_157, %get3A_222 : vector<16xf32>
      %mul3A_224 = arith.constant 128 : i32
      %mul3A_225 = arith.muli %scan3A_199, %mul3A_224 : i32
      %add3A_226 = arith.constant 48 : i32
      %add3A_227 = arith.addi %mul3A_225, %add3A_226 : i32
      %get3A_228 = arith.index_cast %add3A_227 : i32 to index
      %get3A_229 = tpu.vector_load %arg4[%get3A_228] {strides = array<i32>} : memref<51200xf32, #tpu.memory_space<vmem>>, vector<16xf32>,
      %get3A_230 = vector.shape_cast %get3A_229 : vector<16xf32> to vector<16xf32>
      %add3A_231 = arith.addf %add3A_165, %get3A_230 : vector<16xf32>
      %mul3A_232 = arith.constant 128 : i32
      %mul3A_233 = arith.muli %scan3A_199, %mul3A_232 : i32
      %add3A_234 = arith.constant 64 : i32
      %add3A_235 = arith.addi %mul3A_233, %add3A_234 : i32
      %get3A_236 = arith.index_cast %add3A_235 : i32 to index
      %get3A_237 = tpu.vector_load %arg4[%get3A_236] {strides = array<i32>} : memref<51200xf32, #tpu.memory_space<vmem>>, vector<16xf32>,
      %get3A_238 = vector.shape_cast %get3A_237 : vector<16xf32> to vector<16xf32>
      %add3A_239 = arith.addf %add3A_173, %get3A_238 : vector<16xf32>
      %mul3A_240 = arith.constant 128 : i32
      %mul3A_241 = arith.muli %scan3A_199, %mul3A_240 : i32
      %add3A_242 = arith.constant 80 : i32
      %add3A_243 = arith.addi %mul3A_241, %add3A_242 : i32
      %get3A_244 = arith.index_cast %add3A_243 : i32 to index
      %get3A_245 = tpu.vector_load %arg4[%get3A_244] {strides = array<i32>} : memref<51200xf32, #tpu.memory_space<vmem>>, vector<16xf32>,
      %get3A_246 = vector.shape_cast %get3A_245 : vector<16xf32> to vector<16xf32>
      %add3A_247 = arith.addf %add3A_181, %get3A_246 : vector<16xf32>
      %mul3A_248 = arith.constant 128 : i32
      %mul3A_249 = arith.muli %scan3A_199, %mul3A_248 : i32
      %add3A_250 = arith.constant 96 : i32
      %add3A_251 = arith.addi %mul3A_249, %add3A_250 : i32
      %get3A_252 = arith.index_cast %add3A_251 : i32 to index
      %get3A_253 = tpu.vector_load %arg4[%get3A_252] {strides = array<i32>} : memref<51200xf32, #tpu.memory_space<vmem>>, vector<16xf32>,
      %get3A_254 = vector.shape_cast %get3A_253 : vector<16xf32> to vector<16xf32>
      %add3A_255 = arith.addf %add3A_189, %get3A_254 : vector<16xf32>
      %mul3A_256 = arith.constant 128 : i32
      %mul3A_257 = arith.muli %scan3A_199, %mul3A_256 : i32
      %add3A_258 = arith.constant 112 : i32
      %add3A_259 = arith.addi %mul3A_257, %add3A_258 : i32
      %get3A_260 = arith.index_cast %add3A_259 : i32 to index
      %get3A_261 = tpu.vector_load %arg4[%get3A_260] {strides = array<i32>} : memref<51200xf32, #tpu.memory_space<vmem>>, vector<16xf32>,
      %get3A_262 = vector.shape_cast %get3A_261 : vector<16xf32> to vector<16xf32>
      %add3A_263 = arith.addf %add3A_197, %get3A_262 : vector<16xf32>
      %scan3A_264 = arith.constant 3 : i32
      %scan3A_265 = arith.addi %scan3A_60, %scan3A_264 : i32
      %mul3A_266 = arith.constant 128 : i32
      %mul3A_267 = arith.muli %scan3A_265, %mul3A_266 : i32
      %add3A_268 = arith.constant 0 : i32
      %add3A_269 = arith.addi %mul3A_267, %add3A_268 : i32
      %get3A_270 = arith.index_cast %add3A_269 : i32 to index
      %get3A_271 = tpu.vector_load %arg4[%get3A_270] {strides = array<i32>} : memref<51200xf32, #tpu.memory_space<vmem>>, vector<16xf32>,
      %get3A_272 = vector.shape_cast %get3A_271 : vector<16xf32> to vector<16xf32>
      %add3A_273 = arith.addf %add3A_207, %get3A_272 : vector<16xf32>
      %mul3A_274 = arith.constant 128 : i32
      %mul3A_275 = arith.muli %scan3A_265, %mul3A_274 : i32
      %add3A_276 = arith.constant 16 : i32
      %add3A_277 = arith.addi %mul3A_275, %add3A_276 : i32
      %get3A_278 = arith.index_cast %add3A_277 : i32 to index
      %get3A_279 = tpu.vector_load %arg4[%get3A_278] {strides = array<i32>} : memref<51200xf32, #tpu.memory_space<vmem>>, vector<16xf32>,
      %get3A_280 = vector.shape_cast %get3A_279 : vector<16xf32> to vector<16xf32>
      %add3A_281 = arith.addf %add3A_215, %get3A_280 : vector<16xf32>
      %mul3A_282 = arith.constant 128 : i32
      %mul3A_283 = arith.muli %scan3A_265, %mul3A_282 : i32
      %add3A_284 = arith.constant 32 : i32
      %add3A_285 = arith.addi %mul3A_283, %add3A_284 : i32
      %get3A_286 = arith.index_cast %add3A_285 : i32 to index
      %get3A_287 = tpu.vector_load %arg4[%get3A_286] {strides = array<i32>} : memref<51200xf32, #tpu.memory_space<vmem>>, vector<16xf32>,
      %get3A_288 = vector.shape_cast %get3A_287 : vector<16xf32> to vector<16xf32>
      %add3A_289 = arith.addf %add3A_223, %get3A_288 : vector<16xf32>
      %mul3A_290 = arith.constant 128 : i32
      %mul3A_291 = arith.muli %scan3A_265, %mul3A_290 : i32
      %add3A_292 = arith.constant 48 : i32
      %add3A_293 = arith.addi %mul3A_291, %add3A_292 : i32
      %get3A_294 = arith.index_cast %add3A_293 : i32 to index
      %get3A_295 = tpu.vector_load %arg4[%get3A_294] {strides = array<i32>} : memref<51200xf32, #tpu.memory_space<vmem>>, vector<16xf32>,
      %get3A_296 = vector.shape_cast %get3A_295 : vector<16xf32> to vector<16xf32>
      %add3A_297 = arith.addf %add3A_231, %get3A_296 : vector<16xf32>
      %mul3A_298 = arith.constant 128 : i32
      %mul3A_299 = arith.muli %scan3A_265, %mul3A_298 : i32
      %add3A_300 = arith.constant 64 : i32
      %add3A_301 = arith.addi %mul3A_299, %add3A_300 : i32
      %get3A_302 = arith.index_cast %add3A_301 : i32 to index
      %get3A_303 = tpu.vector_load %arg4[%get3A_302] {strides = array<i32>} : memref<51200xf32, #tpu.memory_space<vmem>>, vector<16xf32>,
      %get3A_304 = vector.shape_cast %get3A_303 : vector<16xf32> to vector<16xf32>
      %add3A_305 = arith.addf %add3A_239, %get3A_304 : vector<16xf32>
      %mul3A_306 = arith.constant 128 : i32
      %mul3A_307 = arith.muli %scan3A_265, %mul3A_306 : i32
      %add3A_308 = arith.constant 80 : i32
      %add3A_309 = arith.addi %mul3A_307, %add3A_308 : i32
      %get3A_310 = arith.index_cast %add3A_309 : i32 to index
      %get3A_311 = tpu.vector_load %arg4[%get3A_310] {strides = array<i32>} : memref<51200xf32, #tpu.memory_space<vmem>>, vector<16xf32>,
      %get3A_312 = vector.shape_cast %get3A_311 : vector<16xf32> to vector<16xf32>
      %add3A_313 = arith.addf %add3A_247, %get3A_312 : vector<16xf32>
      %mul3A_314 = arith.constant 128 : i32
      %mul3A_315 = arith.muli %scan3A_265, %mul3A_314 : i32
      %add3A_316 = arith.constant 96 : i32
      %add3A_317 = arith.addi %mul3A_315, %add3A_316 : i32
      %get3A_318 = arith.index_cast %add3A_317 : i32 to index
      %get3A_319 = tpu.vector_load %arg4[%get3A_318] {strides = array<i32>} : memref<51200xf32, #tpu.memory_space<vmem>>, vector<16xf32>,
      %get3A_320 = vector.shape_cast %get3A_319 : vector<16xf32> to vector<16xf32>
      %add3A_321 = arith.addf %add3A_255, %get3A_320 : vector<16xf32>
      %mul3A_322 = arith.constant 128 : i32
      %mul3A_323 = arith.muli %scan3A_265, %mul3A_322 : i32
      %add3A_324 = arith.constant 112 : i32
      %add3A_325 = arith.addi %mul3A_323, %add3A_324 : i32
      %get3A_326 = arith.index_cast %add3A_325 : i32 to index
      %get3A_327 = tpu.vector_load %arg4[%get3A_326] {strides = array<i32>} : memref<51200xf32, #tpu.memory_space<vmem>>, vector<16xf32>,
      %get3A_328 = vector.shape_cast %get3A_327 : vector<16xf32> to vector<16xf32>
      %add3A_329 = arith.addf %add3A_263, %get3A_328 : vector<16xf32>
      %scan3A_330 = arith.constant 4 : i32
      %scan3A_331 = arith.addi %scan3A_60, %scan3A_330 : i32
      %mul3A_332 = arith.constant 128 : i32
      %mul3A_333 = arith.muli %scan3A_331, %mul3A_332 : i32
      %add3A_334 = arith.constant 0 : i32
      %add3A_335 = arith.addi %mul3A_333, %add3A_334 : i32
      %get3A_336 = arith.index_cast %add3A_335 : i32 to index
      %get3A_337 = tpu.vector_load %arg4[%get3A_336] {strides = array<i32>} : memref<51200xf32, #tpu.memory_space<vmem>>, vector<16xf32>,
      %get3A_338 = vector.shape_cast %get3A_337 : vector<16xf32> to vector<16xf32>
      %add3A_339 = arith.addf %add3A_273, %get3A_338 : vector<16xf32>
      %mul3A_340 = arith.constant 128 : i32
      %mul3A_341 = arith.muli %scan3A_331, %mul3A_340 : i32
      %add3A_342 = arith.constant 16 : i32
      %add3A_343 = arith.addi %mul3A_341, %add3A_342 : i32
      %get3A_344 = arith.index_cast %add3A_343 : i32 to index
      %get3A_345 = tpu.vector_load %arg4[%get3A_344] {strides = array<i32>} : memref<51200xf32, #tpu.memory_space<vmem>>, vector<16xf32>,
      %get3A_346 = vector.shape_cast %get3A_345 : vector<16xf32> to vector<16xf32>
      %add3A_347 = arith.addf %add3A_281, %get3A_346 : vector<16xf32>
      %mul3A_348 = arith.constant 128 : i32
      %mul3A_349 = arith.muli %scan3A_331, %mul3A_348 : i32
      %add3A_350 = arith.constant 32 : i32
      %add3A_351 = arith.addi %mul3A_349, %add3A_350 : i32
      %get3A_352 = arith.index_cast %add3A_351 : i32 to index
      %get3A_353 = tpu.vector_load %arg4[%get3A_352] {strides = array<i32>} : memref<51200xf32, #tpu.memory_space<vmem>>, vector<16xf32>,
      %get3A_354 = vector.shape_cast %get3A_353 : vector<16xf32> to vector<16xf32>
      %add3A_355 = arith.addf %add3A_289, %get3A_354 : vector<16xf32>
      %mul3A_356 = arith.constant 128 : i32
      %mul3A_357 = arith.muli %scan3A_331, %mul3A_356 : i32
      %add3A_358 = arith.constant 48 : i32
      %add3A_359 = arith.addi %mul3A_357, %add3A_358 : i32
      %get3A_360 = arith.index_cast %add3A_359 : i32 to index
      %get3A_361 = tpu.vector_load %arg4[%get3A_360] {strides = array<i32>} : memref<51200xf32, #tpu.memory_space<vmem>>, vector<16xf32>,
      %get3A_362 = vector.shape_cast %get3A_361 : vector<16xf32> to vector<16xf32>
      %add3A_363 = arith.addf %add3A_297, %get3A_362 : vector<16xf32>
      %mul3A_364 = arith.constant 128 : i32
      %mul3A_365 = arith.muli %scan3A_331, %mul3A_364 : i32
      %add3A_366 = arith.constant 64 : i32
      %add3A_367 = arith.addi %mul3A_365, %add3A_366 : i32
      %get3A_368 = arith.index_cast %add3A_367 : i32 to index
      %get3A_369 = tpu.vector_load %arg4[%get3A_368] {strides = array<i32>} : memref<51200xf32, #tpu.memory_space<vmem>>, vector<16xf32>,
      %get3A_370 = vector.shape_cast %get3A_369 : vector<16xf32> to vector<16xf32>
      %add3A_371 = arith.addf %add3A_305, %get3A_370 : vector<16xf32>
      %mul3A_372 = arith.constant 128 : i32
      %mul3A_373 = arith.muli %scan3A_331, %mul3A_372 : i32
      %add3A_374 = arith.constant 80 : i32
      %add3A_375 = arith.addi %mul3A_373, %add3A_374 : i32
      %get3A_376 = arith.index_cast %add3A_375 : i32 to index
      %get3A_377 = tpu.vector_load %arg4[%get3A_376] {strides = array<i32>} : memref<51200xf32, #tpu.memory_space<vmem>>, vector<16xf32>,
      %get3A_378 = vector.shape_cast %get3A_377 : vector<16xf32> to vector<16xf32>
      %add3A_379 = arith.addf %add3A_313, %get3A_378 : vector<16xf32>
      %mul3A_380 = arith.constant 128 : i32
      %mul3A_381 = arith.muli %scan3A_331, %mul3A_380 : i32
      %add3A_382 = arith.constant 96 : i32
      %add3A_383 = arith.addi %mul3A_381, %add3A_382 : i32
      %get3A_384 = arith.index_cast %add3A_383 : i32 to index
      %get3A_385 = tpu.vector_load %arg4[%get3A_384] {strides = array<i32>} : memref<51200xf32, #tpu.memory_space<vmem>>, vector<16xf32>,
      %get3A_386 = vector.shape_cast %get3A_385 : vector<16xf32> to vector<16xf32>
      %add3A_387 = arith.addf %add3A_321, %get3A_386 : vector<16xf32>
      %mul3A_388 = arith.constant 128 : i32
      %mul3A_389 = arith.muli %scan3A_331, %mul3A_388 : i32
      %add3A_390 = arith.constant 112 : i32
      %add3A_391 = arith.addi %mul3A_389, %add3A_390 : i32
      %get3A_392 = arith.index_cast %add3A_391 : i32 to index
      %get3A_393 = tpu.vector_load %arg4[%get3A_392] {strides = array<i32>} : memref<51200xf32, #tpu.memory_space<vmem>>, vector<16xf32>,
      %get3A_394 = vector.shape_cast %get3A_393 : vector<16xf32> to vector<16xf32>
      %add3A_395 = arith.addf %add3A_329, %get3A_394 : vector<16xf32>
      scf.yield %add3A_339, %add3A_347, %add3A_355, %add3A_363, %add3A_371, %add3A_379, %add3A_387, %add3A_395 : vector<16xf32>, vector<16xf32>, vector<16xf32>, vector<16xf32>, vector<16xf32>, vector<16xf32>, vector<16xf32>, vector<16xf32>
    }
    %scan3A_26 = arith.constant 400 : i32
    %swap3A = arith.constant 0 : index
    %swap3A_27 = tpu.vector_load %arg5[%swap3A] {strides = array<i32>} : memref<128xf32, #tpu.memory_space<vmem>>, vector<16xf32>,
    %swap3A_28 = vector.shape_cast %swap3A_27 : vector<16xf32> to vector<16xf32>
    %swap3A_29 = vector.shape_cast %scan3A_25#0 : vector<16xf32> to vector<16xf32>
    tpu.vector_store %arg5[%swap3A], %swap3A_29 {strides = array<i32>} : memref<128xf32, #tpu.memory_space<vmem>>, vector<16xf32>,
    %swap3A_30 = arith.constant 16 : index
    %swap3A_31 = tpu.vector_load %arg5[%swap3A_30] {strides = array<i32>} : memref<128xf32, #tpu.memory_space<vmem>>, vector<16xf32>,
    %swap3A_32 = vector.shape_cast %swap3A_31 : vector<16xf32> to vector<16xf32>
    %swap3A_33 = vector.shape_cast %scan3A_25#1 : vector<16xf32> to vector<16xf32>
    tpu.vector_store %arg5[%swap3A_30], %swap3A_33 {strides = array<i32>} : memref<128xf32, #tpu.memory_space<vmem>>, vector<16xf32>,
    %swap3A_34 = arith.constant 32 : index
    %swap3A_35 = tpu.vector_load %arg5[%swap3A_34] {strides = array<i32>} : memref<128xf32, #tpu.memory_space<vmem>>, vector<16xf32>,
    %swap3A_36 = vector.shape_cast %swap3A_35 : vector<16xf32> to vector<16xf32>
    %swap3A_37 = vector.shape_cast %scan3A_25#2 : vector<16xf32> to vector<16xf32>
    tpu.vector_store %arg5[%swap3A_34], %swap3A_37 {strides = array<i32>} : memref<128xf32, #tpu.memory_space<vmem>>, vector<16xf32>,
    %swap3A_38 = arith.constant 48 : index
    %swap3A_39 = tpu.vector_load %arg5[%swap3A_38] {strides = array<i32>} : memref<128xf32, #tpu.memory_space<vmem>>, vector<16xf32>,
    %swap3A_40 = vector.shape_cast %swap3A_39 : vector<16xf32> to vector<16xf32>
    %swap3A_41 = vector.shape_cast %scan3A_25#3 : vector<16xf32> to vector<16xf32>
    tpu.vector_store %arg5[%swap3A_38], %swap3A_41 {strides = array<i32>} : memref<128xf32, #tpu.memory_space<vmem>>, vector<16xf32>,
    %swap3A_42 = arith.constant 64 : index
    %swap3A_43 = tpu.vector_load %arg5[%swap3A_42] {strides = array<i32>} : memref<128xf32, #tpu.memory_space<vmem>>, vector<16xf32>,
    %swap3A_44 = vector.shape_cast %swap3A_43 : vector<16xf32> to vector<16xf32>
    %swap3A_45 = vector.shape_cast %scan3A_25#4 : vector<16xf32> to vector<16xf32>
    tpu.vector_store %arg5[%swap3A_42], %swap3A_45 {strides = array<i32>} : memref<128xf32, #tpu.memory_space<vmem>>, vector<16xf32>,
    %swap3A_46 = arith.constant 80 : index
    %swap3A_47 = tpu.vector_load %arg5[%swap3A_46] {strides = array<i32>} : memref<128xf32, #tpu.memory_space<vmem>>, vector<16xf32>,
    %swap3A_48 = vector.shape_cast %swap3A_47 : vector<16xf32> to vector<16xf32>
    %swap3A_49 = vector.shape_cast %scan3A_25#5 : vector<16xf32> to vector<16xf32>
    tpu.vector_store %arg5[%swap3A_46], %swap3A_49 {strides = array<i32>} : memref<128xf32, #tpu.memory_space<vmem>>, vector<16xf32>,
    %swap3A_50 = arith.constant 96 : index
    %swap3A_51 = tpu.vector_load %arg5[%swap3A_50] {strides = array<i32>} : memref<128xf32, #tpu.memory_space<vmem>>, vector<16xf32>,
    %swap3A_52 = vector.shape_cast %swap3A_51 : vector<16xf32> to vector<16xf32>
    %swap3A_53 = vector.shape_cast %scan3A_25#6 : vector<16xf32> to vector<16xf32>
    tpu.vector_store %arg5[%swap3A_50], %swap3A_53 {strides = array<i32>} : memref<128xf32, #tpu.memory_space<vmem>>, vector<16xf32>,
    %swap3A_54 = arith.constant 112 : index
    %swap3A_55 = tpu.vector_load %arg5[%swap3A_54] {strides = array<i32>} : memref<128xf32, #tpu.memory_space<vmem>>, vector<16xf32>,
    %swap3A_56 = vector.shape_cast %swap3A_55 : vector<16xf32> to vector<16xf32>
    %swap3A_57 = vector.shape_cast %scan3A_25#7 : vector<16xf32> to vector<16xf32>
    tpu.vector_store %arg5[%swap3A_54], %swap3A_57 {strides = array<i32>} : memref<128xf32, #tpu.memory_space<vmem>>, vector<16xf32>,
    %mul3A_58 = arith.constant 128 : i32
    %mul3A_59 = arith.muli %add3A, %mul3A_58 : i32
    "tpu.region"() ({
      %run_scoped3A = tpu.sem_alloc : memref<!tpu.dma_semaphore, #tpu.memory_space<semaphore_mem>>
      %dma_start3A_60 = tpu.memref_slice %arg3[%mul3A_59] : memref<4096xf32, #tpu.memory_space<hbm>> -> memref<128xf32, #tpu.memory_space<hbm>>
      %dma_start3A_61 = tpu.memref_slice %arg3[%mul3A_59] : memref<4096xf32, #tpu.memory_space<hbm>> -> memref<128xf32, #tpu.memory_space<hbm>>
      tpu.enqueue_dma source(%arg5 : memref<128xf32, #tpu.memory_space<vmem>>) target(%dma_start3A_61 : memref<128xf32, #tpu.memory_space<hbm>>) target_semaphore(%run_scoped3A : memref<!tpu.dma_semaphore, #tpu.memory_space<semaphore_mem>>)
      %dma_wait3A_62 = tpu.memref_slice %arg3[%mul3A_59] : memref<4096xf32, #tpu.memory_space<hbm>> -> memref<128xf32, #tpu.memory_space<hbm>>
      %dma_wait3A_63 = tpu.memref_slice %arg3[%mul3A_59] : memref<4096xf32, #tpu.memory_space<hbm>> -> memref<128xf32, #tpu.memory_space<hbm>>
      tpu.wait_dma2 semaphore(%run_scoped3A : memref<!tpu.dma_semaphore, #tpu.memory_space<semaphore_mem>>) src(%arg5 : memref<128xf32, #tpu.memory_space<vmem>>) dst(%dma_wait3A_63 : memref<128xf32, #tpu.memory_space<hbm>>)
      tpu.yield
    }) : () -> ()
    return
  }
}

module attributes {stable_mosaic.version = 14 : i64} {
  func.func @_tc_colsum_kernel(%arg0: i32, %arg1: memref<100000x128xf32, #tpu.memory_space<any>>, %arg2: memref<1x128xf32, #tpu.memory_space<vmem>>, %arg3: memref<4x4360x128xf32, #tpu.memory_space<vmem>>, %arg4: memref<4x!tpu.dma_semaphore, #tpu.memory_space<semaphore_mem>>) attributes {dimension_semantics = [#tpu.dimension_semantics<arbitrary>], iteration_bounds = array<i64: 1>, scalar_prefetch = 0 : i64, scratch_operands = 2 : i64, tpu.core_type = #tpu.core_type<tc>, window_params = [{}, {pipeline_mode = #tpu.pipeline_mode<synchronous>, transform_indices = @transform_1, window_bounds = array<i64: 1, 128>}]} {
    %dma_start3A = arith.constant 0 : i32
    %dma_start3A_0 = arith.constant 0 : i32
    %dma_start3A_1 = tpu.memref_slice %arg4[%dma_start3A_0] : memref<4x!tpu.dma_semaphore, #tpu.memory_space<semaphore_mem>> -> memref<1x!tpu.dma_semaphore, #tpu.memory_space<semaphore_mem>>
    %dma_start3A_2 = tpu.memref_squeeze %dma_start3A_1 : memref<1x!tpu.dma_semaphore, #tpu.memory_space<semaphore_mem>> -> memref<!tpu.dma_semaphore, #tpu.memory_space<semaphore_mem>>
    %dma_start3A_3 = arith.constant 0 : i32
    %dma_start3A_4 = arith.constant 0 : i32
    %dma_start3A_5 = tpu.memref_slice %arg3[%dma_start3A, %dma_start3A_3, %dma_start3A_4] : memref<4x4360x128xf32, #tpu.memory_space<vmem>> -> memref<1x4360x128xf32, #tpu.memory_space<vmem>>
    %dma_start3A_6 = tpu.memref_squeeze %dma_start3A_5 : memref<1x4360x128xf32, #tpu.memory_space<vmem>> -> memref<4360x128xf32, #tpu.memory_space<vmem>>
    %dma_start3A_7 = arith.constant 0 : i32
    %dma_start3A_8 = arith.constant 0 : i32
    %dma_start3A_9 = tpu.memref_slice %arg1[%dma_start3A_7, %dma_start3A_8] : memref<100000x128xf32, #tpu.memory_space<any>> -> memref<4360x128xf32, #tpu.memory_space<any>>
    tpu.enqueue_dma source(%dma_start3A_9 : memref<4360x128xf32, #tpu.memory_space<any>>) target(%dma_start3A_6 : memref<4360x128xf32, #tpu.memory_space<vmem>>) target_semaphore(%dma_start3A_2 : memref<!tpu.dma_semaphore, #tpu.memory_space<semaphore_mem>>)
    %dma_start3A_10 = arith.constant 1 : i32
    %dma_start3A_11 = arith.constant 1 : i32
    %dma_start3A_12 = tpu.memref_slice %arg4[%dma_start3A_11] : memref<4x!tpu.dma_semaphore, #tpu.memory_space<semaphore_mem>> -> memref<1x!tpu.dma_semaphore, #tpu.memory_space<semaphore_mem>>
    %dma_start3A_13 = tpu.memref_squeeze %dma_start3A_12 : memref<1x!tpu.dma_semaphore, #tpu.memory_space<semaphore_mem>> -> memref<!tpu.dma_semaphore, #tpu.memory_space<semaphore_mem>>
    %dma_start3A_14 = arith.constant 0 : i32
    %dma_start3A_15 = arith.constant 0 : i32
    %dma_start3A_16 = tpu.memref_slice %arg3[%dma_start3A_10, %dma_start3A_14, %dma_start3A_15] : memref<4x4360x128xf32, #tpu.memory_space<vmem>> -> memref<1x4360x128xf32, #tpu.memory_space<vmem>>
    %dma_start3A_17 = tpu.memref_squeeze %dma_start3A_16 : memref<1x4360x128xf32, #tpu.memory_space<vmem>> -> memref<4360x128xf32, #tpu.memory_space<vmem>>
    %dma_start3A_18 = arith.constant 4360 : i32
    %dma_start3A_19 = arith.constant 0 : i32
    %dma_start3A_20 = tpu.memref_slice %arg1[%dma_start3A_18, %dma_start3A_19] : memref<100000x128xf32, #tpu.memory_space<any>> -> memref<4360x128xf32, #tpu.memory_space<any>>
    tpu.enqueue_dma source(%dma_start3A_20 : memref<4360x128xf32, #tpu.memory_space<any>>) target(%dma_start3A_17 : memref<4360x128xf32, #tpu.memory_space<vmem>>) target_semaphore(%dma_start3A_13 : memref<!tpu.dma_semaphore, #tpu.memory_space<semaphore_mem>>)
    %dma_start3A_21 = arith.constant 2 : i32
    %dma_start3A_22 = arith.constant 2 : i32
    %dma_start3A_23 = tpu.memref_slice %arg4[%dma_start3A_22] : memref<4x!tpu.dma_semaphore, #tpu.memory_space<semaphore_mem>> -> memref<1x!tpu.dma_semaphore, #tpu.memory_space<semaphore_mem>>
    %dma_start3A_24 = tpu.memref_squeeze %dma_start3A_23 : memref<1x!tpu.dma_semaphore, #tpu.memory_space<semaphore_mem>> -> memref<!tpu.dma_semaphore, #tpu.memory_space<semaphore_mem>>
    %dma_start3A_25 = arith.constant 0 : i32
    %dma_start3A_26 = arith.constant 0 : i32
    %dma_start3A_27 = tpu.memref_slice %arg3[%dma_start3A_21, %dma_start3A_25, %dma_start3A_26] : memref<4x4360x128xf32, #tpu.memory_space<vmem>> -> memref<1x4360x128xf32, #tpu.memory_space<vmem>>
    %dma_start3A_28 = tpu.memref_squeeze %dma_start3A_27 : memref<1x4360x128xf32, #tpu.memory_space<vmem>> -> memref<4360x128xf32, #tpu.memory_space<vmem>>
    %dma_start3A_29 = arith.constant 8720 : i32
    %dma_start3A_30 = arith.constant 0 : i32
    %dma_start3A_31 = tpu.memref_slice %arg1[%dma_start3A_29, %dma_start3A_30] : memref<100000x128xf32, #tpu.memory_space<any>> -> memref<4360x128xf32, #tpu.memory_space<any>>
    tpu.enqueue_dma source(%dma_start3A_31 : memref<4360x128xf32, #tpu.memory_space<any>>) target(%dma_start3A_28 : memref<4360x128xf32, #tpu.memory_space<vmem>>) target_semaphore(%dma_start3A_24 : memref<!tpu.dma_semaphore, #tpu.memory_space<semaphore_mem>>)
    %dma_start3A_32 = arith.constant 3 : i32
    %dma_start3A_33 = arith.constant 3 : i32
    %dma_start3A_34 = tpu.memref_slice %arg4[%dma_start3A_33] : memref<4x!tpu.dma_semaphore, #tpu.memory_space<semaphore_mem>> -> memref<1x!tpu.dma_semaphore, #tpu.memory_space<semaphore_mem>>
    %dma_start3A_35 = tpu.memref_squeeze %dma_start3A_34 : memref<1x!tpu.dma_semaphore, #tpu.memory_space<semaphore_mem>> -> memref<!tpu.dma_semaphore, #tpu.memory_space<semaphore_mem>>
    %dma_start3A_36 = arith.constant 0 : i32
    %dma_start3A_37 = arith.constant 0 : i32
    %dma_start3A_38 = tpu.memref_slice %arg3[%dma_start3A_32, %dma_start3A_36, %dma_start3A_37] : memref<4x4360x128xf32, #tpu.memory_space<vmem>> -> memref<1x4360x128xf32, #tpu.memory_space<vmem>>
    %dma_start3A_39 = tpu.memref_squeeze %dma_start3A_38 : memref<1x4360x128xf32, #tpu.memory_space<vmem>> -> memref<4360x128xf32, #tpu.memory_space<vmem>>
    %dma_start3A_40 = arith.constant 13080 : i32
    %dma_start3A_41 = arith.constant 0 : i32
    %dma_start3A_42 = tpu.memref_slice %arg1[%dma_start3A_40, %dma_start3A_41] : memref<100000x128xf32, #tpu.memory_space<any>> -> memref<4360x128xf32, #tpu.memory_space<any>>
    tpu.enqueue_dma source(%dma_start3A_42 : memref<4360x128xf32, #tpu.memory_space<any>>) target(%dma_start3A_39 : memref<4360x128xf32, #tpu.memory_space<vmem>>) target_semaphore(%dma_start3A_35 : memref<!tpu.dma_semaphore, #tpu.memory_space<semaphore_mem>>)
    %broadcast_in_dim3A = arith.constant 0.000000e+00 : f32
    %broadcast_in_dim3A_43 = vector.broadcast %broadcast_in_dim3A : f32 to vector<1x128xf32>
    %dma_wait3A = arith.constant 0 : i32
    %dma_wait3A_44 = arith.constant 0 : i32
    %dma_wait3A_45 = tpu.memref_slice %arg4[%dma_wait3A_44] : memref<4x!tpu.dma_semaphore, #tpu.memory_space<semaphore_mem>> -> memref<1x!tpu.dma_semaphore, #tpu.memory_space<semaphore_mem>>
    %dma_wait3A_46 = tpu.memref_squeeze %dma_wait3A_45 : memref<1x!tpu.dma_semaphore, #tpu.memory_space<semaphore_mem>> -> memref<!tpu.dma_semaphore, #tpu.memory_space<semaphore_mem>>
    %dma_wait3A_47 = arith.constant 0 : i32
    %dma_wait3A_48 = arith.constant 0 : i32
    %dma_wait3A_49 = tpu.memref_slice %arg3[%dma_wait3A, %dma_wait3A_47, %dma_wait3A_48] : memref<4x4360x128xf32, #tpu.memory_space<vmem>> -> memref<1x4360x128xf32, #tpu.memory_space<vmem>>
    %dma_wait3A_50 = tpu.memref_squeeze %dma_wait3A_49 : memref<1x4360x128xf32, #tpu.memory_space<vmem>> -> memref<4360x128xf32, #tpu.memory_space<vmem>>
    %dma_wait3A_51 = arith.constant 0 : i32
    %dma_wait3A_52 = arith.constant 0 : i32
    %dma_wait3A_53 = tpu.memref_slice %arg1[%dma_wait3A_51, %dma_wait3A_52] : memref<100000x128xf32, #tpu.memory_space<any>> -> memref<4360x128xf32, #tpu.memory_space<any>>
    tpu.wait_dma2 semaphore(%dma_wait3A_46 : memref<!tpu.dma_semaphore, #tpu.memory_space<semaphore_mem>>) src(%dma_wait3A_53 : memref<4360x128xf32, #tpu.memory_space<any>>) dst(%dma_wait3A_50 : memref<4360x128xf32, #tpu.memory_space<vmem>>)
    %get3A = arith.constant 0 : index
    %get3A_54 = arith.constant 0 : index
    %get3A_55 = arith.constant 0 : index
    %get3A_56 = vector.load %arg3[%get3A, %get3A_54, %get3A_55] : memref<4x4360x128xf32, #tpu.memory_space<vmem>>, vector<1x4360x128xf32>
    %get3A_57 = vector.shape_cast %get3A_56 : vector<1x4360x128xf32> to vector<4360x128xf32>
    %reduce_sum3A = arith.constant dense<0.000000e+00> : vector<128xf32>
    %reduce_sum3A_58 = vector.multi_reduction <add>, %get3A_57, %reduce_sum3A [0] : vector<4360x128xf32> to vector<128xf32>
    %broadcast_in_dim3A_59 = vector.shape_cast %reduce_sum3A_58 : vector<128xf32> to vector<1x128xf32>
    %add3A = arith.addf %broadcast_in_dim3A_43, %broadcast_in_dim3A_59 : vector<1x128xf32>
    %dma_start3A_60 = arith.constant 0 : i32
    %dma_start3A_61 = arith.constant 0 : i32
    %dma_start3A_62 = tpu.memref_slice %arg4[%dma_start3A_61] : memref<4x!tpu.dma_semaphore, #tpu.memory_space<semaphore_mem>> -> memref<1x!tpu.dma_semaphore, #tpu.memory_space<semaphore_mem>>
    %dma_start3A_63 = tpu.memref_squeeze %dma_start3A_62 : memref<1x!tpu.dma_semaphore, #tpu.memory_space<semaphore_mem>> -> memref<!tpu.dma_semaphore, #tpu.memory_space<semaphore_mem>>
    %dma_start3A_64 = arith.constant 0 : i32
    %dma_start3A_65 = arith.constant 0 : i32
    %dma_start3A_66 = tpu.memref_slice %arg3[%dma_start3A_60, %dma_start3A_64, %dma_start3A_65] : memref<4x4360x128xf32, #tpu.memory_space<vmem>> -> memref<1x4360x128xf32, #tpu.memory_space<vmem>>
    %dma_start3A_67 = tpu.memref_squeeze %dma_start3A_66 : memref<1x4360x128xf32, #tpu.memory_space<vmem>> -> memref<4360x128xf32, #tpu.memory_space<vmem>>
    %dma_start3A_68 = arith.constant 17440 : i32
    %dma_start3A_69 = arith.constant 0 : i32
    %dma_start3A_70 = tpu.memref_slice %arg1[%dma_start3A_68, %dma_start3A_69] : memref<100000x128xf32, #tpu.memory_space<any>> -> memref<4360x128xf32, #tpu.memory_space<any>>
    tpu.enqueue_dma source(%dma_start3A_70 : memref<4360x128xf32, #tpu.memory_space<any>>) target(%dma_start3A_67 : memref<4360x128xf32, #tpu.memory_space<vmem>>) target_semaphore(%dma_start3A_63 : memref<!tpu.dma_semaphore, #tpu.memory_space<semaphore_mem>>)
    %dma_wait3A_71 = arith.constant 1 : i32
    %dma_wait3A_72 = arith.constant 1 : i32
    %dma_wait3A_73 = tpu.memref_slice %arg4[%dma_wait3A_72] : memref<4x!tpu.dma_semaphore, #tpu.memory_space<semaphore_mem>> -> memref<1x!tpu.dma_semaphore, #tpu.memory_space<semaphore_mem>>
    %dma_wait3A_74 = tpu.memref_squeeze %dma_wait3A_73 : memref<1x!tpu.dma_semaphore, #tpu.memory_space<semaphore_mem>> -> memref<!tpu.dma_semaphore, #tpu.memory_space<semaphore_mem>>
    %dma_wait3A_75 = arith.constant 0 : i32
    %dma_wait3A_76 = arith.constant 0 : i32
    %dma_wait3A_77 = tpu.memref_slice %arg3[%dma_wait3A_71, %dma_wait3A_75, %dma_wait3A_76] : memref<4x4360x128xf32, #tpu.memory_space<vmem>> -> memref<1x4360x128xf32, #tpu.memory_space<vmem>>
    %dma_wait3A_78 = tpu.memref_squeeze %dma_wait3A_77 : memref<1x4360x128xf32, #tpu.memory_space<vmem>> -> memref<4360x128xf32, #tpu.memory_space<vmem>>
    %dma_wait3A_79 = arith.constant 4360 : i32
    %dma_wait3A_80 = arith.constant 0 : i32
    %dma_wait3A_81 = tpu.memref_slice %arg1[%dma_wait3A_79, %dma_wait3A_80] : memref<100000x128xf32, #tpu.memory_space<any>> -> memref<4360x128xf32, #tpu.memory_space<any>>
    tpu.wait_dma2 semaphore(%dma_wait3A_74 : memref<!tpu.dma_semaphore, #tpu.memory_space<semaphore_mem>>) src(%dma_wait3A_81 : memref<4360x128xf32, #tpu.memory_space<any>>) dst(%dma_wait3A_78 : memref<4360x128xf32, #tpu.memory_space<vmem>>)
    %get3A_82 = arith.constant 1 : index
    %get3A_83 = arith.constant 0 : index
    %get3A_84 = arith.constant 0 : index
    %get3A_85 = vector.load %arg3[%get3A_82, %get3A_83, %get3A_84] : memref<4x4360x128xf32, #tpu.memory_space<vmem>>, vector<1x4360x128xf32>
    %get3A_86 = vector.shape_cast %get3A_85 : vector<1x4360x128xf32> to vector<4360x128xf32>
    %reduce_sum3A_87 = arith.constant dense<0.000000e+00> : vector<128xf32>
    %reduce_sum3A_88 = vector.multi_reduction <add>, %get3A_86, %reduce_sum3A_87 [0] : vector<4360x128xf32> to vector<128xf32>
    %broadcast_in_dim3A_89 = vector.shape_cast %reduce_sum3A_88 : vector<128xf32> to vector<1x128xf32>
    %add3A_90 = arith.addf %add3A, %broadcast_in_dim3A_89 : vector<1x128xf32>
    %dma_start3A_91 = arith.constant 1 : i32
    %dma_start3A_92 = arith.constant 1 : i32
    %dma_start3A_93 = tpu.memref_slice %arg4[%dma_start3A_92] : memref<4x!tpu.dma_semaphore, #tpu.memory_space<semaphore_mem>> -> memref<1x!tpu.dma_semaphore, #tpu.memory_space<semaphore_mem>>
    %dma_start3A_94 = tpu.memref_squeeze %dma_start3A_93 : memref<1x!tpu.dma_semaphore, #tpu.memory_space<semaphore_mem>> -> memref<!tpu.dma_semaphore, #tpu.memory_space<semaphore_mem>>
    %dma_start3A_95 = arith.constant 0 : i32
    %dma_start3A_96 = arith.constant 0 : i32
    %dma_start3A_97 = tpu.memref_slice %arg3[%dma_start3A_91, %dma_start3A_95, %dma_start3A_96] : memref<4x4360x128xf32, #tpu.memory_space<vmem>> -> memref<1x4360x128xf32, #tpu.memory_space<vmem>>
    %dma_start3A_98 = tpu.memref_squeeze %dma_start3A_97 : memref<1x4360x128xf32, #tpu.memory_space<vmem>> -> memref<4360x128xf32, #tpu.memory_space<vmem>>
    %dma_start3A_99 = arith.constant 21800 : i32
    %dma_start3A_100 = arith.constant 0 : i32
    %dma_start3A_101 = tpu.memref_slice %arg1[%dma_start3A_99, %dma_start3A_100] : memref<100000x128xf32, #tpu.memory_space<any>> -> memref<4360x128xf32, #tpu.memory_space<any>>
    tpu.enqueue_dma source(%dma_start3A_101 : memref<4360x128xf32, #tpu.memory_space<any>>) target(%dma_start3A_98 : memref<4360x128xf32, #tpu.memory_space<vmem>>) target_semaphore(%dma_start3A_94 : memref<!tpu.dma_semaphore, #tpu.memory_space<semaphore_mem>>)
    %dma_wait3A_102 = arith.constant 2 : i32
    %dma_wait3A_103 = arith.constant 2 : i32
    %dma_wait3A_104 = tpu.memref_slice %arg4[%dma_wait3A_103] : memref<4x!tpu.dma_semaphore, #tpu.memory_space<semaphore_mem>> -> memref<1x!tpu.dma_semaphore, #tpu.memory_space<semaphore_mem>>
    %dma_wait3A_105 = tpu.memref_squeeze %dma_wait3A_104 : memref<1x!tpu.dma_semaphore, #tpu.memory_space<semaphore_mem>> -> memref<!tpu.dma_semaphore, #tpu.memory_space<semaphore_mem>>
    %dma_wait3A_106 = arith.constant 0 : i32
    %dma_wait3A_107 = arith.constant 0 : i32
    %dma_wait3A_108 = tpu.memref_slice %arg3[%dma_wait3A_102, %dma_wait3A_106, %dma_wait3A_107] : memref<4x4360x128xf32, #tpu.memory_space<vmem>> -> memref<1x4360x128xf32, #tpu.memory_space<vmem>>
    %dma_wait3A_109 = tpu.memref_squeeze %dma_wait3A_108 : memref<1x4360x128xf32, #tpu.memory_space<vmem>> -> memref<4360x128xf32, #tpu.memory_space<vmem>>
    %dma_wait3A_110 = arith.constant 8720 : i32
    %dma_wait3A_111 = arith.constant 0 : i32
    %dma_wait3A_112 = tpu.memref_slice %arg1[%dma_wait3A_110, %dma_wait3A_111] : memref<100000x128xf32, #tpu.memory_space<any>> -> memref<4360x128xf32, #tpu.memory_space<any>>
    tpu.wait_dma2 semaphore(%dma_wait3A_105 : memref<!tpu.dma_semaphore, #tpu.memory_space<semaphore_mem>>) src(%dma_wait3A_112 : memref<4360x128xf32, #tpu.memory_space<any>>) dst(%dma_wait3A_109 : memref<4360x128xf32, #tpu.memory_space<vmem>>)
    %get3A_113 = arith.constant 2 : index
    %get3A_114 = arith.constant 0 : index
    %get3A_115 = arith.constant 0 : index
    %get3A_116 = vector.load %arg3[%get3A_113, %get3A_114, %get3A_115] : memref<4x4360x128xf32, #tpu.memory_space<vmem>>, vector<1x4360x128xf32>
    %get3A_117 = vector.shape_cast %get3A_116 : vector<1x4360x128xf32> to vector<4360x128xf32>
    %reduce_sum3A_118 = arith.constant dense<0.000000e+00> : vector<128xf32>
    %reduce_sum3A_119 = vector.multi_reduction <add>, %get3A_117, %reduce_sum3A_118 [0] : vector<4360x128xf32> to vector<128xf32>
    %broadcast_in_dim3A_120 = vector.shape_cast %reduce_sum3A_119 : vector<128xf32> to vector<1x128xf32>
    %add3A_121 = arith.addf %add3A_90, %broadcast_in_dim3A_120 : vector<1x128xf32>
    %dma_start3A_122 = arith.constant 2 : i32
    %dma_start3A_123 = arith.constant 2 : i32
    %dma_start3A_124 = tpu.memref_slice %arg4[%dma_start3A_123] : memref<4x!tpu.dma_semaphore, #tpu.memory_space<semaphore_mem>> -> memref<1x!tpu.dma_semaphore, #tpu.memory_space<semaphore_mem>>
    %dma_start3A_125 = tpu.memref_squeeze %dma_start3A_124 : memref<1x!tpu.dma_semaphore, #tpu.memory_space<semaphore_mem>> -> memref<!tpu.dma_semaphore, #tpu.memory_space<semaphore_mem>>
    %dma_start3A_126 = arith.constant 0 : i32
    %dma_start3A_127 = arith.constant 0 : i32
    %dma_start3A_128 = tpu.memref_slice %arg3[%dma_start3A_122, %dma_start3A_126, %dma_start3A_127] : memref<4x4360x128xf32, #tpu.memory_space<vmem>> -> memref<1x4360x128xf32, #tpu.memory_space<vmem>>
    %dma_start3A_129 = tpu.memref_squeeze %dma_start3A_128 : memref<1x4360x128xf32, #tpu.memory_space<vmem>> -> memref<4360x128xf32, #tpu.memory_space<vmem>>
    %dma_start3A_130 = arith.constant 26160 : i32
    %dma_start3A_131 = arith.constant 0 : i32
    %dma_start3A_132 = tpu.memref_slice %arg1[%dma_start3A_130, %dma_start3A_131] : memref<100000x128xf32, #tpu.memory_space<any>> -> memref<4360x128xf32, #tpu.memory_space<any>>
    tpu.enqueue_dma source(%dma_start3A_132 : memref<4360x128xf32, #tpu.memory_space<any>>) target(%dma_start3A_129 : memref<4360x128xf32, #tpu.memory_space<vmem>>) target_semaphore(%dma_start3A_125 : memref<!tpu.dma_semaphore, #tpu.memory_space<semaphore_mem>>)
    %dma_wait3A_133 = arith.constant 3 : i32
    %dma_wait3A_134 = arith.constant 3 : i32
    %dma_wait3A_135 = tpu.memref_slice %arg4[%dma_wait3A_134] : memref<4x!tpu.dma_semaphore, #tpu.memory_space<semaphore_mem>> -> memref<1x!tpu.dma_semaphore, #tpu.memory_space<semaphore_mem>>
    %dma_wait3A_136 = tpu.memref_squeeze %dma_wait3A_135 : memref<1x!tpu.dma_semaphore, #tpu.memory_space<semaphore_mem>> -> memref<!tpu.dma_semaphore, #tpu.memory_space<semaphore_mem>>
    %dma_wait3A_137 = arith.constant 0 : i32
    %dma_wait3A_138 = arith.constant 0 : i32
    %dma_wait3A_139 = tpu.memref_slice %arg3[%dma_wait3A_133, %dma_wait3A_137, %dma_wait3A_138] : memref<4x4360x128xf32, #tpu.memory_space<vmem>> -> memref<1x4360x128xf32, #tpu.memory_space<vmem>>
    %dma_wait3A_140 = tpu.memref_squeeze %dma_wait3A_139 : memref<1x4360x128xf32, #tpu.memory_space<vmem>> -> memref<4360x128xf32, #tpu.memory_space<vmem>>
    %dma_wait3A_141 = arith.constant 13080 : i32
    %dma_wait3A_142 = arith.constant 0 : i32
    %dma_wait3A_143 = tpu.memref_slice %arg1[%dma_wait3A_141, %dma_wait3A_142] : memref<100000x128xf32, #tpu.memory_space<any>> -> memref<4360x128xf32, #tpu.memory_space<any>>
    tpu.wait_dma2 semaphore(%dma_wait3A_136 : memref<!tpu.dma_semaphore, #tpu.memory_space<semaphore_mem>>) src(%dma_wait3A_143 : memref<4360x128xf32, #tpu.memory_space<any>>) dst(%dma_wait3A_140 : memref<4360x128xf32, #tpu.memory_space<vmem>>)
    %get3A_144 = arith.constant 3 : index
    %get3A_145 = arith.constant 0 : index
    %get3A_146 = arith.constant 0 : index
    %get3A_147 = vector.load %arg3[%get3A_144, %get3A_145, %get3A_146] : memref<4x4360x128xf32, #tpu.memory_space<vmem>>, vector<1x4360x128xf32>
    %get3A_148 = vector.shape_cast %get3A_147 : vector<1x4360x128xf32> to vector<4360x128xf32>
    %reduce_sum3A_149 = arith.constant dense<0.000000e+00> : vector<128xf32>
    %reduce_sum3A_150 = vector.multi_reduction <add>, %get3A_148, %reduce_sum3A_149 [0] : vector<4360x128xf32> to vector<128xf32>
    %broadcast_in_dim3A_151 = vector.shape_cast %reduce_sum3A_150 : vector<128xf32> to vector<1x128xf32>
    %add3A_152 = arith.addf %add3A_121, %broadcast_in_dim3A_151 : vector<1x128xf32>
    %dma_start3A_153 = arith.constant 3 : i32
    %dma_start3A_154 = arith.constant 3 : i32
    %dma_start3A_155 = tpu.memref_slice %arg4[%dma_start3A_154] : memref<4x!tpu.dma_semaphore, #tpu.memory_space<semaphore_mem>> -> memref<1x!tpu.dma_semaphore, #tpu.memory_space<semaphore_mem>>
    %dma_start3A_156 = tpu.memref_squeeze %dma_start3A_155 : memref<1x!tpu.dma_semaphore, #tpu.memory_space<semaphore_mem>> -> memref<!tpu.dma_semaphore, #tpu.memory_space<semaphore_mem>>
    %dma_start3A_157 = arith.constant 0 : i32
    %dma_start3A_158 = arith.constant 0 : i32
    %dma_start3A_159 = tpu.memref_slice %arg3[%dma_start3A_153, %dma_start3A_157, %dma_start3A_158] : memref<4x4360x128xf32, #tpu.memory_space<vmem>> -> memref<1x4360x128xf32, #tpu.memory_space<vmem>>
    %dma_start3A_160 = tpu.memref_squeeze %dma_start3A_159 : memref<1x4360x128xf32, #tpu.memory_space<vmem>> -> memref<4360x128xf32, #tpu.memory_space<vmem>>
    %dma_start3A_161 = arith.constant 30520 : i32
    %dma_start3A_162 = arith.constant 0 : i32
    %dma_start3A_163 = tpu.memref_slice %arg1[%dma_start3A_161, %dma_start3A_162] : memref<100000x128xf32, #tpu.memory_space<any>> -> memref<4360x128xf32, #tpu.memory_space<any>>
    tpu.enqueue_dma source(%dma_start3A_163 : memref<4360x128xf32, #tpu.memory_space<any>>) target(%dma_start3A_160 : memref<4360x128xf32, #tpu.memory_space<vmem>>) target_semaphore(%dma_start3A_156 : memref<!tpu.dma_semaphore, #tpu.memory_space<semaphore_mem>>)
    %dma_wait3A_164 = arith.constant 0 : i32
    %dma_wait3A_165 = arith.constant 0 : i32
    %dma_wait3A_166 = tpu.memref_slice %arg4[%dma_wait3A_165] : memref<4x!tpu.dma_semaphore, #tpu.memory_space<semaphore_mem>> -> memref<1x!tpu.dma_semaphore, #tpu.memory_space<semaphore_mem>>
    %dma_wait3A_167 = tpu.memref_squeeze %dma_wait3A_166 : memref<1x!tpu.dma_semaphore, #tpu.memory_space<semaphore_mem>> -> memref<!tpu.dma_semaphore, #tpu.memory_space<semaphore_mem>>
    %dma_wait3A_168 = arith.constant 0 : i32
    %dma_wait3A_169 = arith.constant 0 : i32
    %dma_wait3A_170 = tpu.memref_slice %arg3[%dma_wait3A_164, %dma_wait3A_168, %dma_wait3A_169] : memref<4x4360x128xf32, #tpu.memory_space<vmem>> -> memref<1x4360x128xf32, #tpu.memory_space<vmem>>
    %dma_wait3A_171 = tpu.memref_squeeze %dma_wait3A_170 : memref<1x4360x128xf32, #tpu.memory_space<vmem>> -> memref<4360x128xf32, #tpu.memory_space<vmem>>
    %dma_wait3A_172 = arith.constant 17440 : i32
    %dma_wait3A_173 = arith.constant 0 : i32
    %dma_wait3A_174 = tpu.memref_slice %arg1[%dma_wait3A_172, %dma_wait3A_173] : memref<100000x128xf32, #tpu.memory_space<any>> -> memref<4360x128xf32, #tpu.memory_space<any>>
    tpu.wait_dma2 semaphore(%dma_wait3A_167 : memref<!tpu.dma_semaphore, #tpu.memory_space<semaphore_mem>>) src(%dma_wait3A_174 : memref<4360x128xf32, #tpu.memory_space<any>>) dst(%dma_wait3A_171 : memref<4360x128xf32, #tpu.memory_space<vmem>>)
    %get3A_175 = arith.constant 0 : index
    %get3A_176 = arith.constant 0 : index
    %get3A_177 = arith.constant 0 : index
    %get3A_178 = vector.load %arg3[%get3A_175, %get3A_176, %get3A_177] : memref<4x4360x128xf32, #tpu.memory_space<vmem>>, vector<1x4360x128xf32>
    %get3A_179 = vector.shape_cast %get3A_178 : vector<1x4360x128xf32> to vector<4360x128xf32>
    %reduce_sum3A_180 = arith.constant dense<0.000000e+00> : vector<128xf32>
    %reduce_sum3A_181 = vector.multi_reduction <add>, %get3A_179, %reduce_sum3A_180 [0] : vector<4360x128xf32> to vector<128xf32>
    %broadcast_in_dim3A_182 = vector.shape_cast %reduce_sum3A_181 : vector<128xf32> to vector<1x128xf32>
    %add3A_183 = arith.addf %add3A_152, %broadcast_in_dim3A_182 : vector<1x128xf32>
    %dma_start3A_184 = arith.constant 0 : i32
    %dma_start3A_185 = arith.constant 0 : i32
    %dma_start3A_186 = tpu.memref_slice %arg4[%dma_start3A_185] : memref<4x!tpu.dma_semaphore, #tpu.memory_space<semaphore_mem>> -> memref<1x!tpu.dma_semaphore, #tpu.memory_space<semaphore_mem>>
    %dma_start3A_187 = tpu.memref_squeeze %dma_start3A_186 : memref<1x!tpu.dma_semaphore, #tpu.memory_space<semaphore_mem>> -> memref<!tpu.dma_semaphore, #tpu.memory_space<semaphore_mem>>
    %dma_start3A_188 = arith.constant 0 : i32
    %dma_start3A_189 = arith.constant 0 : i32
    %dma_start3A_190 = tpu.memref_slice %arg3[%dma_start3A_184, %dma_start3A_188, %dma_start3A_189] : memref<4x4360x128xf32, #tpu.memory_space<vmem>> -> memref<1x4360x128xf32, #tpu.memory_space<vmem>>
    %dma_start3A_191 = tpu.memref_squeeze %dma_start3A_190 : memref<1x4360x128xf32, #tpu.memory_space<vmem>> -> memref<4360x128xf32, #tpu.memory_space<vmem>>
    %dma_start3A_192 = arith.constant 34880 : i32
    %dma_start3A_193 = arith.constant 0 : i32
    %dma_start3A_194 = tpu.memref_slice %arg1[%dma_start3A_192, %dma_start3A_193] : memref<100000x128xf32, #tpu.memory_space<any>> -> memref<4360x128xf32, #tpu.memory_space<any>>
    tpu.enqueue_dma source(%dma_start3A_194 : memref<4360x128xf32, #tpu.memory_space<any>>) target(%dma_start3A_191 : memref<4360x128xf32, #tpu.memory_space<vmem>>) target_semaphore(%dma_start3A_187 : memref<!tpu.dma_semaphore, #tpu.memory_space<semaphore_mem>>)
    %dma_wait3A_195 = arith.constant 1 : i32
    %dma_wait3A_196 = arith.constant 1 : i32
    %dma_wait3A_197 = tpu.memref_slice %arg4[%dma_wait3A_196] : memref<4x!tpu.dma_semaphore, #tpu.memory_space<semaphore_mem>> -> memref<1x!tpu.dma_semaphore, #tpu.memory_space<semaphore_mem>>
    %dma_wait3A_198 = tpu.memref_squeeze %dma_wait3A_197 : memref<1x!tpu.dma_semaphore, #tpu.memory_space<semaphore_mem>> -> memref<!tpu.dma_semaphore, #tpu.memory_space<semaphore_mem>>
    %dma_wait3A_199 = arith.constant 0 : i32
    %dma_wait3A_200 = arith.constant 0 : i32
    %dma_wait3A_201 = tpu.memref_slice %arg3[%dma_wait3A_195, %dma_wait3A_199, %dma_wait3A_200] : memref<4x4360x128xf32, #tpu.memory_space<vmem>> -> memref<1x4360x128xf32, #tpu.memory_space<vmem>>
    %dma_wait3A_202 = tpu.memref_squeeze %dma_wait3A_201 : memref<1x4360x128xf32, #tpu.memory_space<vmem>> -> memref<4360x128xf32, #tpu.memory_space<vmem>>
    %dma_wait3A_203 = arith.constant 21800 : i32
    %dma_wait3A_204 = arith.constant 0 : i32
    %dma_wait3A_205 = tpu.memref_slice %arg1[%dma_wait3A_203, %dma_wait3A_204] : memref<100000x128xf32, #tpu.memory_space<any>> -> memref<4360x128xf32, #tpu.memory_space<any>>
    tpu.wait_dma2 semaphore(%dma_wait3A_198 : memref<!tpu.dma_semaphore, #tpu.memory_space<semaphore_mem>>) src(%dma_wait3A_205 : memref<4360x128xf32, #tpu.memory_space<any>>) dst(%dma_wait3A_202 : memref<4360x128xf32, #tpu.memory_space<vmem>>)
    %get3A_206 = arith.constant 1 : index
    %get3A_207 = arith.constant 0 : index
    %get3A_208 = arith.constant 0 : index
    %get3A_209 = vector.load %arg3[%get3A_206, %get3A_207, %get3A_208] : memref<4x4360x128xf32, #tpu.memory_space<vmem>>, vector<1x4360x128xf32>
    %get3A_210 = vector.shape_cast %get3A_209 : vector<1x4360x128xf32> to vector<4360x128xf32>
    %reduce_sum3A_211 = arith.constant dense<0.000000e+00> : vector<128xf32>
    %reduce_sum3A_212 = vector.multi_reduction <add>, %get3A_210, %reduce_sum3A_211 [0] : vector<4360x128xf32> to vector<128xf32>
    %broadcast_in_dim3A_213 = vector.shape_cast %reduce_sum3A_212 : vector<128xf32> to vector<1x128xf32>
    %add3A_214 = arith.addf %add3A_183, %broadcast_in_dim3A_213 : vector<1x128xf32>
    %dma_start3A_215 = arith.constant 1 : i32
    %dma_start3A_216 = arith.constant 1 : i32
    %dma_start3A_217 = tpu.memref_slice %arg4[%dma_start3A_216] : memref<4x!tpu.dma_semaphore, #tpu.memory_space<semaphore_mem>> -> memref<1x!tpu.dma_semaphore, #tpu.memory_space<semaphore_mem>>
    %dma_start3A_218 = tpu.memref_squeeze %dma_start3A_217 : memref<1x!tpu.dma_semaphore, #tpu.memory_space<semaphore_mem>> -> memref<!tpu.dma_semaphore, #tpu.memory_space<semaphore_mem>>
    %dma_start3A_219 = arith.constant 0 : i32
    %dma_start3A_220 = arith.constant 0 : i32
    %dma_start3A_221 = tpu.memref_slice %arg3[%dma_start3A_215, %dma_start3A_219, %dma_start3A_220] : memref<4x4360x128xf32, #tpu.memory_space<vmem>> -> memref<1x4360x128xf32, #tpu.memory_space<vmem>>
    %dma_start3A_222 = tpu.memref_squeeze %dma_start3A_221 : memref<1x4360x128xf32, #tpu.memory_space<vmem>> -> memref<4360x128xf32, #tpu.memory_space<vmem>>
    %dma_start3A_223 = arith.constant 39240 : i32
    %dma_start3A_224 = arith.constant 0 : i32
    %dma_start3A_225 = tpu.memref_slice %arg1[%dma_start3A_223, %dma_start3A_224] : memref<100000x128xf32, #tpu.memory_space<any>> -> memref<4360x128xf32, #tpu.memory_space<any>>
    tpu.enqueue_dma source(%dma_start3A_225 : memref<4360x128xf32, #tpu.memory_space<any>>) target(%dma_start3A_222 : memref<4360x128xf32, #tpu.memory_space<vmem>>) target_semaphore(%dma_start3A_218 : memref<!tpu.dma_semaphore, #tpu.memory_space<semaphore_mem>>)
    %dma_wait3A_226 = arith.constant 2 : i32
    %dma_wait3A_227 = arith.constant 2 : i32
    %dma_wait3A_228 = tpu.memref_slice %arg4[%dma_wait3A_227] : memref<4x!tpu.dma_semaphore, #tpu.memory_space<semaphore_mem>> -> memref<1x!tpu.dma_semaphore, #tpu.memory_space<semaphore_mem>>
    %dma_wait3A_229 = tpu.memref_squeeze %dma_wait3A_228 : memref<1x!tpu.dma_semaphore, #tpu.memory_space<semaphore_mem>> -> memref<!tpu.dma_semaphore, #tpu.memory_space<semaphore_mem>>
    %dma_wait3A_230 = arith.constant 0 : i32
    %dma_wait3A_231 = arith.constant 0 : i32
    %dma_wait3A_232 = tpu.memref_slice %arg3[%dma_wait3A_226, %dma_wait3A_230, %dma_wait3A_231] : memref<4x4360x128xf32, #tpu.memory_space<vmem>> -> memref<1x4360x128xf32, #tpu.memory_space<vmem>>
    %dma_wait3A_233 = tpu.memref_squeeze %dma_wait3A_232 : memref<1x4360x128xf32, #tpu.memory_space<vmem>> -> memref<4360x128xf32, #tpu.memory_space<vmem>>
    %dma_wait3A_234 = arith.constant 26160 : i32
    %dma_wait3A_235 = arith.constant 0 : i32
    %dma_wait3A_236 = tpu.memref_slice %arg1[%dma_wait3A_234, %dma_wait3A_235] : memref<100000x128xf32, #tpu.memory_space<any>> -> memref<4360x128xf32, #tpu.memory_space<any>>
    tpu.wait_dma2 semaphore(%dma_wait3A_229 : memref<!tpu.dma_semaphore, #tpu.memory_space<semaphore_mem>>) src(%dma_wait3A_236 : memref<4360x128xf32, #tpu.memory_space<any>>) dst(%dma_wait3A_233 : memref<4360x128xf32, #tpu.memory_space<vmem>>)
    %get3A_237 = arith.constant 2 : index
    %get3A_238 = arith.constant 0 : index
    %get3A_239 = arith.constant 0 : index
    %get3A_240 = vector.load %arg3[%get3A_237, %get3A_238, %get3A_239] : memref<4x4360x128xf32, #tpu.memory_space<vmem>>, vector<1x4360x128xf32>
    %get3A_241 = vector.shape_cast %get3A_240 : vector<1x4360x128xf32> to vector<4360x128xf32>
    %reduce_sum3A_242 = arith.constant dense<0.000000e+00> : vector<128xf32>
    %reduce_sum3A_243 = vector.multi_reduction <add>, %get3A_241, %reduce_sum3A_242 [0] : vector<4360x128xf32> to vector<128xf32>
    %broadcast_in_dim3A_244 = vector.shape_cast %reduce_sum3A_243 : vector<128xf32> to vector<1x128xf32>
    %add3A_245 = arith.addf %add3A_214, %broadcast_in_dim3A_244 : vector<1x128xf32>
    %dma_start3A_246 = arith.constant 2 : i32
    %dma_start3A_247 = arith.constant 2 : i32
    %dma_start3A_248 = tpu.memref_slice %arg4[%dma_start3A_247] : memref<4x!tpu.dma_semaphore, #tpu.memory_space<semaphore_mem>> -> memref<1x!tpu.dma_semaphore, #tpu.memory_space<semaphore_mem>>
    %dma_start3A_249 = tpu.memref_squeeze %dma_start3A_248 : memref<1x!tpu.dma_semaphore, #tpu.memory_space<semaphore_mem>> -> memref<!tpu.dma_semaphore, #tpu.memory_space<semaphore_mem>>
    %dma_start3A_250 = arith.constant 0 : i32
    %dma_start3A_251 = arith.constant 0 : i32
    %dma_start3A_252 = tpu.memref_slice %arg3[%dma_start3A_246, %dma_start3A_250, %dma_start3A_251] : memref<4x4360x128xf32, #tpu.memory_space<vmem>> -> memref<1x4360x128xf32, #tpu.memory_space<vmem>>
    %dma_start3A_253 = tpu.memref_squeeze %dma_start3A_252 : memref<1x4360x128xf32, #tpu.memory_space<vmem>> -> memref<4360x128xf32, #tpu.memory_space<vmem>>
    %dma_start3A_254 = arith.constant 43600 : i32
    %dma_start3A_255 = arith.constant 0 : i32
    %dma_start3A_256 = tpu.memref_slice %arg1[%dma_start3A_254, %dma_start3A_255] : memref<100000x128xf32, #tpu.memory_space<any>> -> memref<4360x128xf32, #tpu.memory_space<any>>
    tpu.enqueue_dma source(%dma_start3A_256 : memref<4360x128xf32, #tpu.memory_space<any>>) target(%dma_start3A_253 : memref<4360x128xf32, #tpu.memory_space<vmem>>) target_semaphore(%dma_start3A_249 : memref<!tpu.dma_semaphore, #tpu.memory_space<semaphore_mem>>)
    %dma_wait3A_257 = arith.constant 3 : i32
    %dma_wait3A_258 = arith.constant 3 : i32
    %dma_wait3A_259 = tpu.memref_slice %arg4[%dma_wait3A_258] : memref<4x!tpu.dma_semaphore, #tpu.memory_space<semaphore_mem>> -> memref<1x!tpu.dma_semaphore, #tpu.memory_space<semaphore_mem>>
    %dma_wait3A_260 = tpu.memref_squeeze %dma_wait3A_259 : memref<1x!tpu.dma_semaphore, #tpu.memory_space<semaphore_mem>> -> memref<!tpu.dma_semaphore, #tpu.memory_space<semaphore_mem>>
    %dma_wait3A_261 = arith.constant 0 : i32
    %dma_wait3A_262 = arith.constant 0 : i32
    %dma_wait3A_263 = tpu.memref_slice %arg3[%dma_wait3A_257, %dma_wait3A_261, %dma_wait3A_262] : memref<4x4360x128xf32, #tpu.memory_space<vmem>> -> memref<1x4360x128xf32, #tpu.memory_space<vmem>>
    %dma_wait3A_264 = tpu.memref_squeeze %dma_wait3A_263 : memref<1x4360x128xf32, #tpu.memory_space<vmem>> -> memref<4360x128xf32, #tpu.memory_space<vmem>>
    %dma_wait3A_265 = arith.constant 30520 : i32
    %dma_wait3A_266 = arith.constant 0 : i32
    %dma_wait3A_267 = tpu.memref_slice %arg1[%dma_wait3A_265, %dma_wait3A_266] : memref<100000x128xf32, #tpu.memory_space<any>> -> memref<4360x128xf32, #tpu.memory_space<any>>
    tpu.wait_dma2 semaphore(%dma_wait3A_260 : memref<!tpu.dma_semaphore, #tpu.memory_space<semaphore_mem>>) src(%dma_wait3A_267 : memref<4360x128xf32, #tpu.memory_space<any>>) dst(%dma_wait3A_264 : memref<4360x128xf32, #tpu.memory_space<vmem>>)
    %get3A_268 = arith.constant 3 : index
    %get3A_269 = arith.constant 0 : index
    %get3A_270 = arith.constant 0 : index
    %get3A_271 = vector.load %arg3[%get3A_268, %get3A_269, %get3A_270] : memref<4x4360x128xf32, #tpu.memory_space<vmem>>, vector<1x4360x128xf32>
    %get3A_272 = vector.shape_cast %get3A_271 : vector<1x4360x128xf32> to vector<4360x128xf32>
    %reduce_sum3A_273 = arith.constant dense<0.000000e+00> : vector<128xf32>
    %reduce_sum3A_274 = vector.multi_reduction <add>, %get3A_272, %reduce_sum3A_273 [0] : vector<4360x128xf32> to vector<128xf32>
    %broadcast_in_dim3A_275 = vector.shape_cast %reduce_sum3A_274 : vector<128xf32> to vector<1x128xf32>
    %add3A_276 = arith.addf %add3A_245, %broadcast_in_dim3A_275 : vector<1x128xf32>
    %dma_start3A_277 = arith.constant 3 : i32
    %dma_start3A_278 = arith.constant 3 : i32
    %dma_start3A_279 = tpu.memref_slice %arg4[%dma_start3A_278] : memref<4x!tpu.dma_semaphore, #tpu.memory_space<semaphore_mem>> -> memref<1x!tpu.dma_semaphore, #tpu.memory_space<semaphore_mem>>
    %dma_start3A_280 = tpu.memref_squeeze %dma_start3A_279 : memref<1x!tpu.dma_semaphore, #tpu.memory_space<semaphore_mem>> -> memref<!tpu.dma_semaphore, #tpu.memory_space<semaphore_mem>>
    %dma_start3A_281 = arith.constant 0 : i32
    %dma_start3A_282 = arith.constant 0 : i32
    %dma_start3A_283 = tpu.memref_slice %arg3[%dma_start3A_277, %dma_start3A_281, %dma_start3A_282] : memref<4x4360x128xf32, #tpu.memory_space<vmem>> -> memref<1x4360x128xf32, #tpu.memory_space<vmem>>
    %dma_start3A_284 = tpu.memref_squeeze %dma_start3A_283 : memref<1x4360x128xf32, #tpu.memory_space<vmem>> -> memref<4360x128xf32, #tpu.memory_space<vmem>>
    %dma_start3A_285 = arith.constant 47960 : i32
    %dma_start3A_286 = arith.constant 0 : i32
    %dma_start3A_287 = tpu.memref_slice %arg1[%dma_start3A_285, %dma_start3A_286] : memref<100000x128xf32, #tpu.memory_space<any>> -> memref<4360x128xf32, #tpu.memory_space<any>>
    tpu.enqueue_dma source(%dma_start3A_287 : memref<4360x128xf32, #tpu.memory_space<any>>) target(%dma_start3A_284 : memref<4360x128xf32, #tpu.memory_space<vmem>>) target_semaphore(%dma_start3A_280 : memref<!tpu.dma_semaphore, #tpu.memory_space<semaphore_mem>>)
    %dma_wait3A_288 = arith.constant 0 : i32
    %dma_wait3A_289 = arith.constant 0 : i32
    %dma_wait3A_290 = tpu.memref_slice %arg4[%dma_wait3A_289] : memref<4x!tpu.dma_semaphore, #tpu.memory_space<semaphore_mem>> -> memref<1x!tpu.dma_semaphore, #tpu.memory_space<semaphore_mem>>
    %dma_wait3A_291 = tpu.memref_squeeze %dma_wait3A_290 : memref<1x!tpu.dma_semaphore, #tpu.memory_space<semaphore_mem>> -> memref<!tpu.dma_semaphore, #tpu.memory_space<semaphore_mem>>
    %dma_wait3A_292 = arith.constant 0 : i32
    %dma_wait3A_293 = arith.constant 0 : i32
    %dma_wait3A_294 = tpu.memref_slice %arg3[%dma_wait3A_288, %dma_wait3A_292, %dma_wait3A_293] : memref<4x4360x128xf32, #tpu.memory_space<vmem>> -> memref<1x4360x128xf32, #tpu.memory_space<vmem>>
    %dma_wait3A_295 = tpu.memref_squeeze %dma_wait3A_294 : memref<1x4360x128xf32, #tpu.memory_space<vmem>> -> memref<4360x128xf32, #tpu.memory_space<vmem>>
    %dma_wait3A_296 = arith.constant 34880 : i32
    %dma_wait3A_297 = arith.constant 0 : i32
    %dma_wait3A_298 = tpu.memref_slice %arg1[%dma_wait3A_296, %dma_wait3A_297] : memref<100000x128xf32, #tpu.memory_space<any>> -> memref<4360x128xf32, #tpu.memory_space<any>>
    tpu.wait_dma2 semaphore(%dma_wait3A_291 : memref<!tpu.dma_semaphore, #tpu.memory_space<semaphore_mem>>) src(%dma_wait3A_298 : memref<4360x128xf32, #tpu.memory_space<any>>) dst(%dma_wait3A_295 : memref<4360x128xf32, #tpu.memory_space<vmem>>)
    %get3A_299 = arith.constant 0 : index
    %get3A_300 = arith.constant 0 : index
    %get3A_301 = arith.constant 0 : index
    %get3A_302 = vector.load %arg3[%get3A_299, %get3A_300, %get3A_301] : memref<4x4360x128xf32, #tpu.memory_space<vmem>>, vector<1x4360x128xf32>
    %get3A_303 = vector.shape_cast %get3A_302 : vector<1x4360x128xf32> to vector<4360x128xf32>
    %reduce_sum3A_304 = arith.constant dense<0.000000e+00> : vector<128xf32>
    %reduce_sum3A_305 = vector.multi_reduction <add>, %get3A_303, %reduce_sum3A_304 [0] : vector<4360x128xf32> to vector<128xf32>
    %broadcast_in_dim3A_306 = vector.shape_cast %reduce_sum3A_305 : vector<128xf32> to vector<1x128xf32>
    %add3A_307 = arith.addf %add3A_276, %broadcast_in_dim3A_306 : vector<1x128xf32>
    %dma_start3A_308 = arith.constant 0 : i32
    %dma_start3A_309 = arith.constant 0 : i32
    %dma_start3A_310 = tpu.memref_slice %arg4[%dma_start3A_309] : memref<4x!tpu.dma_semaphore, #tpu.memory_space<semaphore_mem>> -> memref<1x!tpu.dma_semaphore, #tpu.memory_space<semaphore_mem>>
    %dma_start3A_311 = tpu.memref_squeeze %dma_start3A_310 : memref<1x!tpu.dma_semaphore, #tpu.memory_space<semaphore_mem>> -> memref<!tpu.dma_semaphore, #tpu.memory_space<semaphore_mem>>
    %dma_start3A_312 = arith.constant 0 : i32
    %dma_start3A_313 = arith.constant 0 : i32
    %dma_start3A_314 = tpu.memref_slice %arg3[%dma_start3A_308, %dma_start3A_312, %dma_start3A_313] : memref<4x4360x128xf32, #tpu.memory_space<vmem>> -> memref<1x4360x128xf32, #tpu.memory_space<vmem>>
    %dma_start3A_315 = tpu.memref_squeeze %dma_start3A_314 : memref<1x4360x128xf32, #tpu.memory_space<vmem>> -> memref<4360x128xf32, #tpu.memory_space<vmem>>
    %dma_start3A_316 = arith.constant 52320 : i32
    %dma_start3A_317 = arith.constant 0 : i32
    %dma_start3A_318 = tpu.memref_slice %arg1[%dma_start3A_316, %dma_start3A_317] : memref<100000x128xf32, #tpu.memory_space<any>> -> memref<4360x128xf32, #tpu.memory_space<any>>
    tpu.enqueue_dma source(%dma_start3A_318 : memref<4360x128xf32, #tpu.memory_space<any>>) target(%dma_start3A_315 : memref<4360x128xf32, #tpu.memory_space<vmem>>) target_semaphore(%dma_start3A_311 : memref<!tpu.dma_semaphore, #tpu.memory_space<semaphore_mem>>)
    %dma_wait3A_319 = arith.constant 1 : i32
    %dma_wait3A_320 = arith.constant 1 : i32
    %dma_wait3A_321 = tpu.memref_slice %arg4[%dma_wait3A_320] : memref<4x!tpu.dma_semaphore, #tpu.memory_space<semaphore_mem>> -> memref<1x!tpu.dma_semaphore, #tpu.memory_space<semaphore_mem>>
    %dma_wait3A_322 = tpu.memref_squeeze %dma_wait3A_321 : memref<1x!tpu.dma_semaphore, #tpu.memory_space<semaphore_mem>> -> memref<!tpu.dma_semaphore, #tpu.memory_space<semaphore_mem>>
    %dma_wait3A_323 = arith.constant 0 : i32
    %dma_wait3A_324 = arith.constant 0 : i32
    %dma_wait3A_325 = tpu.memref_slice %arg3[%dma_wait3A_319, %dma_wait3A_323, %dma_wait3A_324] : memref<4x4360x128xf32, #tpu.memory_space<vmem>> -> memref<1x4360x128xf32, #tpu.memory_space<vmem>>
    %dma_wait3A_326 = tpu.memref_squeeze %dma_wait3A_325 : memref<1x4360x128xf32, #tpu.memory_space<vmem>> -> memref<4360x128xf32, #tpu.memory_space<vmem>>
    %dma_wait3A_327 = arith.constant 39240 : i32
    %dma_wait3A_328 = arith.constant 0 : i32
    %dma_wait3A_329 = tpu.memref_slice %arg1[%dma_wait3A_327, %dma_wait3A_328] : memref<100000x128xf32, #tpu.memory_space<any>> -> memref<4360x128xf32, #tpu.memory_space<any>>
    tpu.wait_dma2 semaphore(%dma_wait3A_322 : memref<!tpu.dma_semaphore, #tpu.memory_space<semaphore_mem>>) src(%dma_wait3A_329 : memref<4360x128xf32, #tpu.memory_space<any>>) dst(%dma_wait3A_326 : memref<4360x128xf32, #tpu.memory_space<vmem>>)
    %get3A_330 = arith.constant 1 : index
    %get3A_331 = arith.constant 0 : index
    %get3A_332 = arith.constant 0 : index
    %get3A_333 = vector.load %arg3[%get3A_330, %get3A_331, %get3A_332] : memref<4x4360x128xf32, #tpu.memory_space<vmem>>, vector<1x4360x128xf32>
    %get3A_334 = vector.shape_cast %get3A_333 : vector<1x4360x128xf32> to vector<4360x128xf32>
    %reduce_sum3A_335 = arith.constant dense<0.000000e+00> : vector<128xf32>
    %reduce_sum3A_336 = vector.multi_reduction <add>, %get3A_334, %reduce_sum3A_335 [0] : vector<4360x128xf32> to vector<128xf32>
    %broadcast_in_dim3A_337 = vector.shape_cast %reduce_sum3A_336 : vector<128xf32> to vector<1x128xf32>
    %add3A_338 = arith.addf %add3A_307, %broadcast_in_dim3A_337 : vector<1x128xf32>
    %dma_start3A_339 = arith.constant 1 : i32
    %dma_start3A_340 = arith.constant 1 : i32
    %dma_start3A_341 = tpu.memref_slice %arg4[%dma_start3A_340] : memref<4x!tpu.dma_semaphore, #tpu.memory_space<semaphore_mem>> -> memref<1x!tpu.dma_semaphore, #tpu.memory_space<semaphore_mem>>
    %dma_start3A_342 = tpu.memref_squeeze %dma_start3A_341 : memref<1x!tpu.dma_semaphore, #tpu.memory_space<semaphore_mem>> -> memref<!tpu.dma_semaphore, #tpu.memory_space<semaphore_mem>>
    %dma_start3A_343 = arith.constant 0 : i32
    %dma_start3A_344 = arith.constant 0 : i32
    %dma_start3A_345 = tpu.memref_slice %arg3[%dma_start3A_339, %dma_start3A_343, %dma_start3A_344] : memref<4x4360x128xf32, #tpu.memory_space<vmem>> -> memref<1x4360x128xf32, #tpu.memory_space<vmem>>
    %dma_start3A_346 = tpu.memref_squeeze %dma_start3A_345 : memref<1x4360x128xf32, #tpu.memory_space<vmem>> -> memref<4360x128xf32, #tpu.memory_space<vmem>>
    %dma_start3A_347 = arith.constant 56680 : i32
    %dma_start3A_348 = arith.constant 0 : i32
    %dma_start3A_349 = tpu.memref_slice %arg1[%dma_start3A_347, %dma_start3A_348] : memref<100000x128xf32, #tpu.memory_space<any>> -> memref<4360x128xf32, #tpu.memory_space<any>>
    tpu.enqueue_dma source(%dma_start3A_349 : memref<4360x128xf32, #tpu.memory_space<any>>) target(%dma_start3A_346 : memref<4360x128xf32, #tpu.memory_space<vmem>>) target_semaphore(%dma_start3A_342 : memref<!tpu.dma_semaphore, #tpu.memory_space<semaphore_mem>>)
    %dma_wait3A_350 = arith.constant 2 : i32
    %dma_wait3A_351 = arith.constant 2 : i32
    %dma_wait3A_352 = tpu.memref_slice %arg4[%dma_wait3A_351] : memref<4x!tpu.dma_semaphore, #tpu.memory_space<semaphore_mem>> -> memref<1x!tpu.dma_semaphore, #tpu.memory_space<semaphore_mem>>
    %dma_wait3A_353 = tpu.memref_squeeze %dma_wait3A_352 : memref<1x!tpu.dma_semaphore, #tpu.memory_space<semaphore_mem>> -> memref<!tpu.dma_semaphore, #tpu.memory_space<semaphore_mem>>
    %dma_wait3A_354 = arith.constant 0 : i32
    %dma_wait3A_355 = arith.constant 0 : i32
    %dma_wait3A_356 = tpu.memref_slice %arg3[%dma_wait3A_350, %dma_wait3A_354, %dma_wait3A_355] : memref<4x4360x128xf32, #tpu.memory_space<vmem>> -> memref<1x4360x128xf32, #tpu.memory_space<vmem>>
    %dma_wait3A_357 = tpu.memref_squeeze %dma_wait3A_356 : memref<1x4360x128xf32, #tpu.memory_space<vmem>> -> memref<4360x128xf32, #tpu.memory_space<vmem>>
    %dma_wait3A_358 = arith.constant 43600 : i32
    %dma_wait3A_359 = arith.constant 0 : i32
    %dma_wait3A_360 = tpu.memref_slice %arg1[%dma_wait3A_358, %dma_wait3A_359] : memref<100000x128xf32, #tpu.memory_space<any>> -> memref<4360x128xf32, #tpu.memory_space<any>>
    tpu.wait_dma2 semaphore(%dma_wait3A_353 : memref<!tpu.dma_semaphore, #tpu.memory_space<semaphore_mem>>) src(%dma_wait3A_360 : memref<4360x128xf32, #tpu.memory_space<any>>) dst(%dma_wait3A_357 : memref<4360x128xf32, #tpu.memory_space<vmem>>)
    %get3A_361 = arith.constant 2 : index
    %get3A_362 = arith.constant 0 : index
    %get3A_363 = arith.constant 0 : index
    %get3A_364 = vector.load %arg3[%get3A_361, %get3A_362, %get3A_363] : memref<4x4360x128xf32, #tpu.memory_space<vmem>>, vector<1x4360x128xf32>
    %get3A_365 = vector.shape_cast %get3A_364 : vector<1x4360x128xf32> to vector<4360x128xf32>
    %reduce_sum3A_366 = arith.constant dense<0.000000e+00> : vector<128xf32>
    %reduce_sum3A_367 = vector.multi_reduction <add>, %get3A_365, %reduce_sum3A_366 [0] : vector<4360x128xf32> to vector<128xf32>
    %broadcast_in_dim3A_368 = vector.shape_cast %reduce_sum3A_367 : vector<128xf32> to vector<1x128xf32>
    %add3A_369 = arith.addf %add3A_338, %broadcast_in_dim3A_368 : vector<1x128xf32>
    %dma_start3A_370 = arith.constant 2 : i32
    %dma_start3A_371 = arith.constant 2 : i32
    %dma_start3A_372 = tpu.memref_slice %arg4[%dma_start3A_371] : memref<4x!tpu.dma_semaphore, #tpu.memory_space<semaphore_mem>> -> memref<1x!tpu.dma_semaphore, #tpu.memory_space<semaphore_mem>>
    %dma_start3A_373 = tpu.memref_squeeze %dma_start3A_372 : memref<1x!tpu.dma_semaphore, #tpu.memory_space<semaphore_mem>> -> memref<!tpu.dma_semaphore, #tpu.memory_space<semaphore_mem>>
    %dma_start3A_374 = arith.constant 0 : i32
    %dma_start3A_375 = arith.constant 0 : i32
    %dma_start3A_376 = tpu.memref_slice %arg3[%dma_start3A_370, %dma_start3A_374, %dma_start3A_375] : memref<4x4360x128xf32, #tpu.memory_space<vmem>> -> memref<1x4360x128xf32, #tpu.memory_space<vmem>>
    %dma_start3A_377 = tpu.memref_squeeze %dma_start3A_376 : memref<1x4360x128xf32, #tpu.memory_space<vmem>> -> memref<4360x128xf32, #tpu.memory_space<vmem>>
    %dma_start3A_378 = arith.constant 61040 : i32
    %dma_start3A_379 = arith.constant 0 : i32
    %dma_start3A_380 = tpu.memref_slice %arg1[%dma_start3A_378, %dma_start3A_379] : memref<100000x128xf32, #tpu.memory_space<any>> -> memref<4360x128xf32, #tpu.memory_space<any>>
    tpu.enqueue_dma source(%dma_start3A_380 : memref<4360x128xf32, #tpu.memory_space<any>>) target(%dma_start3A_377 : memref<4360x128xf32, #tpu.memory_space<vmem>>) target_semaphore(%dma_start3A_373 : memref<!tpu.dma_semaphore, #tpu.memory_space<semaphore_mem>>)
    %dma_wait3A_381 = arith.constant 3 : i32
    %dma_wait3A_382 = arith.constant 3 : i32
    %dma_wait3A_383 = tpu.memref_slice %arg4[%dma_wait3A_382] : memref<4x!tpu.dma_semaphore, #tpu.memory_space<semaphore_mem>> -> memref<1x!tpu.dma_semaphore, #tpu.memory_space<semaphore_mem>>
    %dma_wait3A_384 = tpu.memref_squeeze %dma_wait3A_383 : memref<1x!tpu.dma_semaphore, #tpu.memory_space<semaphore_mem>> -> memref<!tpu.dma_semaphore, #tpu.memory_space<semaphore_mem>>
    %dma_wait3A_385 = arith.constant 0 : i32
    %dma_wait3A_386 = arith.constant 0 : i32
    %dma_wait3A_387 = tpu.memref_slice %arg3[%dma_wait3A_381, %dma_wait3A_385, %dma_wait3A_386] : memref<4x4360x128xf32, #tpu.memory_space<vmem>> -> memref<1x4360x128xf32, #tpu.memory_space<vmem>>
    %dma_wait3A_388 = tpu.memref_squeeze %dma_wait3A_387 : memref<1x4360x128xf32, #tpu.memory_space<vmem>> -> memref<4360x128xf32, #tpu.memory_space<vmem>>
    %dma_wait3A_389 = arith.constant 47960 : i32
    %dma_wait3A_390 = arith.constant 0 : i32
    %dma_wait3A_391 = tpu.memref_slice %arg1[%dma_wait3A_389, %dma_wait3A_390] : memref<100000x128xf32, #tpu.memory_space<any>> -> memref<4360x128xf32, #tpu.memory_space<any>>
    tpu.wait_dma2 semaphore(%dma_wait3A_384 : memref<!tpu.dma_semaphore, #tpu.memory_space<semaphore_mem>>) src(%dma_wait3A_391 : memref<4360x128xf32, #tpu.memory_space<any>>) dst(%dma_wait3A_388 : memref<4360x128xf32, #tpu.memory_space<vmem>>)
    %get3A_392 = arith.constant 3 : index
    %get3A_393 = arith.constant 0 : index
    %get3A_394 = arith.constant 0 : index
    %get3A_395 = vector.load %arg3[%get3A_392, %get3A_393, %get3A_394] : memref<4x4360x128xf32, #tpu.memory_space<vmem>>, vector<1x4360x128xf32>
    %get3A_396 = vector.shape_cast %get3A_395 : vector<1x4360x128xf32> to vector<4360x128xf32>
    %reduce_sum3A_397 = arith.constant dense<0.000000e+00> : vector<128xf32>
    %reduce_sum3A_398 = vector.multi_reduction <add>, %get3A_396, %reduce_sum3A_397 [0] : vector<4360x128xf32> to vector<128xf32>
    %broadcast_in_dim3A_399 = vector.shape_cast %reduce_sum3A_398 : vector<128xf32> to vector<1x128xf32>
    %add3A_400 = arith.addf %add3A_369, %broadcast_in_dim3A_399 : vector<1x128xf32>
    %dma_start3A_401 = arith.constant 3 : i32
    %dma_start3A_402 = arith.constant 3 : i32
    %dma_start3A_403 = tpu.memref_slice %arg4[%dma_start3A_402] : memref<4x!tpu.dma_semaphore, #tpu.memory_space<semaphore_mem>> -> memref<1x!tpu.dma_semaphore, #tpu.memory_space<semaphore_mem>>
    %dma_start3A_404 = tpu.memref_squeeze %dma_start3A_403 : memref<1x!tpu.dma_semaphore, #tpu.memory_space<semaphore_mem>> -> memref<!tpu.dma_semaphore, #tpu.memory_space<semaphore_mem>>
    %dma_start3A_405 = arith.constant 0 : i32
    %dma_start3A_406 = arith.constant 0 : i32
    %dma_start3A_407 = tpu.memref_slice %arg3[%dma_start3A_401, %dma_start3A_405, %dma_start3A_406] : memref<4x4360x128xf32, #tpu.memory_space<vmem>> -> memref<1x4360x128xf32, #tpu.memory_space<vmem>>
    %dma_start3A_408 = tpu.memref_squeeze %dma_start3A_407 : memref<1x4360x128xf32, #tpu.memory_space<vmem>> -> memref<4360x128xf32, #tpu.memory_space<vmem>>
    %dma_start3A_409 = arith.constant 65400 : i32
    %dma_start3A_410 = arith.constant 0 : i32
    %dma_start3A_411 = tpu.memref_slice %arg1[%dma_start3A_409, %dma_start3A_410] : memref<100000x128xf32, #tpu.memory_space<any>> -> memref<4360x128xf32, #tpu.memory_space<any>>
    tpu.enqueue_dma source(%dma_start3A_411 : memref<4360x128xf32, #tpu.memory_space<any>>) target(%dma_start3A_408 : memref<4360x128xf32, #tpu.memory_space<vmem>>) target_semaphore(%dma_start3A_404 : memref<!tpu.dma_semaphore, #tpu.memory_space<semaphore_mem>>)
    %dma_wait3A_412 = arith.constant 0 : i32
    %dma_wait3A_413 = arith.constant 0 : i32
    %dma_wait3A_414 = tpu.memref_slice %arg4[%dma_wait3A_413] : memref<4x!tpu.dma_semaphore, #tpu.memory_space<semaphore_mem>> -> memref<1x!tpu.dma_semaphore, #tpu.memory_space<semaphore_mem>>
    %dma_wait3A_415 = tpu.memref_squeeze %dma_wait3A_414 : memref<1x!tpu.dma_semaphore, #tpu.memory_space<semaphore_mem>> -> memref<!tpu.dma_semaphore, #tpu.memory_space<semaphore_mem>>
    %dma_wait3A_416 = arith.constant 0 : i32
    %dma_wait3A_417 = arith.constant 0 : i32
    %dma_wait3A_418 = tpu.memref_slice %arg3[%dma_wait3A_412, %dma_wait3A_416, %dma_wait3A_417] : memref<4x4360x128xf32, #tpu.memory_space<vmem>> -> memref<1x4360x128xf32, #tpu.memory_space<vmem>>
    %dma_wait3A_419 = tpu.memref_squeeze %dma_wait3A_418 : memref<1x4360x128xf32, #tpu.memory_space<vmem>> -> memref<4360x128xf32, #tpu.memory_space<vmem>>
    %dma_wait3A_420 = arith.constant 52320 : i32
    %dma_wait3A_421 = arith.constant 0 : i32
    %dma_wait3A_422 = tpu.memref_slice %arg1[%dma_wait3A_420, %dma_wait3A_421] : memref<100000x128xf32, #tpu.memory_space<any>> -> memref<4360x128xf32, #tpu.memory_space<any>>
    tpu.wait_dma2 semaphore(%dma_wait3A_415 : memref<!tpu.dma_semaphore, #tpu.memory_space<semaphore_mem>>) src(%dma_wait3A_422 : memref<4360x128xf32, #tpu.memory_space<any>>) dst(%dma_wait3A_419 : memref<4360x128xf32, #tpu.memory_space<vmem>>)
    %get3A_423 = arith.constant 0 : index
    %get3A_424 = arith.constant 0 : index
    %get3A_425 = arith.constant 0 : index
    %get3A_426 = vector.load %arg3[%get3A_423, %get3A_424, %get3A_425] : memref<4x4360x128xf32, #tpu.memory_space<vmem>>, vector<1x4360x128xf32>
    %get3A_427 = vector.shape_cast %get3A_426 : vector<1x4360x128xf32> to vector<4360x128xf32>
    %reduce_sum3A_428 = arith.constant dense<0.000000e+00> : vector<128xf32>
    %reduce_sum3A_429 = vector.multi_reduction <add>, %get3A_427, %reduce_sum3A_428 [0] : vector<4360x128xf32> to vector<128xf32>
    %broadcast_in_dim3A_430 = vector.shape_cast %reduce_sum3A_429 : vector<128xf32> to vector<1x128xf32>
    %add3A_431 = arith.addf %add3A_400, %broadcast_in_dim3A_430 : vector<1x128xf32>
    %dma_start3A_432 = arith.constant 0 : i32
    %dma_start3A_433 = arith.constant 0 : i32
    %dma_start3A_434 = tpu.memref_slice %arg4[%dma_start3A_433] : memref<4x!tpu.dma_semaphore, #tpu.memory_space<semaphore_mem>> -> memref<1x!tpu.dma_semaphore, #tpu.memory_space<semaphore_mem>>
    %dma_start3A_435 = tpu.memref_squeeze %dma_start3A_434 : memref<1x!tpu.dma_semaphore, #tpu.memory_space<semaphore_mem>> -> memref<!tpu.dma_semaphore, #tpu.memory_space<semaphore_mem>>
    %dma_start3A_436 = arith.constant 0 : i32
    %dma_start3A_437 = arith.constant 0 : i32
    %dma_start3A_438 = tpu.memref_slice %arg3[%dma_start3A_432, %dma_start3A_436, %dma_start3A_437] : memref<4x4360x128xf32, #tpu.memory_space<vmem>> -> memref<1x4360x128xf32, #tpu.memory_space<vmem>>
    %dma_start3A_439 = tpu.memref_squeeze %dma_start3A_438 : memref<1x4360x128xf32, #tpu.memory_space<vmem>> -> memref<4360x128xf32, #tpu.memory_space<vmem>>
    %dma_start3A_440 = arith.constant 69760 : i32
    %dma_start3A_441 = arith.constant 0 : i32
    %dma_start3A_442 = tpu.memref_slice %arg1[%dma_start3A_440, %dma_start3A_441] : memref<100000x128xf32, #tpu.memory_space<any>> -> memref<4360x128xf32, #tpu.memory_space<any>>
    tpu.enqueue_dma source(%dma_start3A_442 : memref<4360x128xf32, #tpu.memory_space<any>>) target(%dma_start3A_439 : memref<4360x128xf32, #tpu.memory_space<vmem>>) target_semaphore(%dma_start3A_435 : memref<!tpu.dma_semaphore, #tpu.memory_space<semaphore_mem>>)
    %dma_wait3A_443 = arith.constant 1 : i32
    %dma_wait3A_444 = arith.constant 1 : i32
    %dma_wait3A_445 = tpu.memref_slice %arg4[%dma_wait3A_444] : memref<4x!tpu.dma_semaphore, #tpu.memory_space<semaphore_mem>> -> memref<1x!tpu.dma_semaphore, #tpu.memory_space<semaphore_mem>>
    %dma_wait3A_446 = tpu.memref_squeeze %dma_wait3A_445 : memref<1x!tpu.dma_semaphore, #tpu.memory_space<semaphore_mem>> -> memref<!tpu.dma_semaphore, #tpu.memory_space<semaphore_mem>>
    %dma_wait3A_447 = arith.constant 0 : i32
    %dma_wait3A_448 = arith.constant 0 : i32
    %dma_wait3A_449 = tpu.memref_slice %arg3[%dma_wait3A_443, %dma_wait3A_447, %dma_wait3A_448] : memref<4x4360x128xf32, #tpu.memory_space<vmem>> -> memref<1x4360x128xf32, #tpu.memory_space<vmem>>
    %dma_wait3A_450 = tpu.memref_squeeze %dma_wait3A_449 : memref<1x4360x128xf32, #tpu.memory_space<vmem>> -> memref<4360x128xf32, #tpu.memory_space<vmem>>
    %dma_wait3A_451 = arith.constant 56680 : i32
    %dma_wait3A_452 = arith.constant 0 : i32
    %dma_wait3A_453 = tpu.memref_slice %arg1[%dma_wait3A_451, %dma_wait3A_452] : memref<100000x128xf32, #tpu.memory_space<any>> -> memref<4360x128xf32, #tpu.memory_space<any>>
    tpu.wait_dma2 semaphore(%dma_wait3A_446 : memref<!tpu.dma_semaphore, #tpu.memory_space<semaphore_mem>>) src(%dma_wait3A_453 : memref<4360x128xf32, #tpu.memory_space<any>>) dst(%dma_wait3A_450 : memref<4360x128xf32, #tpu.memory_space<vmem>>)
    %get3A_454 = arith.constant 1 : index
    %get3A_455 = arith.constant 0 : index
    %get3A_456 = arith.constant 0 : index
    %get3A_457 = vector.load %arg3[%get3A_454, %get3A_455, %get3A_456] : memref<4x4360x128xf32, #tpu.memory_space<vmem>>, vector<1x4360x128xf32>
    %get3A_458 = vector.shape_cast %get3A_457 : vector<1x4360x128xf32> to vector<4360x128xf32>
    %reduce_sum3A_459 = arith.constant dense<0.000000e+00> : vector<128xf32>
    %reduce_sum3A_460 = vector.multi_reduction <add>, %get3A_458, %reduce_sum3A_459 [0] : vector<4360x128xf32> to vector<128xf32>
    %broadcast_in_dim3A_461 = vector.shape_cast %reduce_sum3A_460 : vector<128xf32> to vector<1x128xf32>
    %add3A_462 = arith.addf %add3A_431, %broadcast_in_dim3A_461 : vector<1x128xf32>
    %dma_start3A_463 = arith.constant 1 : i32
    %dma_start3A_464 = arith.constant 1 : i32
    %dma_start3A_465 = tpu.memref_slice %arg4[%dma_start3A_464] : memref<4x!tpu.dma_semaphore, #tpu.memory_space<semaphore_mem>> -> memref<1x!tpu.dma_semaphore, #tpu.memory_space<semaphore_mem>>
    %dma_start3A_466 = tpu.memref_squeeze %dma_start3A_465 : memref<1x!tpu.dma_semaphore, #tpu.memory_space<semaphore_mem>> -> memref<!tpu.dma_semaphore, #tpu.memory_space<semaphore_mem>>
    %dma_start3A_467 = arith.constant 0 : i32
    %dma_start3A_468 = arith.constant 0 : i32
    %dma_start3A_469 = tpu.memref_slice %arg3[%dma_start3A_463, %dma_start3A_467, %dma_start3A_468] : memref<4x4360x128xf32, #tpu.memory_space<vmem>> -> memref<1x4360x128xf32, #tpu.memory_space<vmem>>
    %dma_start3A_470 = tpu.memref_squeeze %dma_start3A_469 : memref<1x4360x128xf32, #tpu.memory_space<vmem>> -> memref<4360x128xf32, #tpu.memory_space<vmem>>
    %dma_start3A_471 = arith.constant 74120 : i32
    %dma_start3A_472 = arith.constant 0 : i32
    %dma_start3A_473 = tpu.memref_slice %arg1[%dma_start3A_471, %dma_start3A_472] : memref<100000x128xf32, #tpu.memory_space<any>> -> memref<4360x128xf32, #tpu.memory_space<any>>
    tpu.enqueue_dma source(%dma_start3A_473 : memref<4360x128xf32, #tpu.memory_space<any>>) target(%dma_start3A_470 : memref<4360x128xf32, #tpu.memory_space<vmem>>) target_semaphore(%dma_start3A_466 : memref<!tpu.dma_semaphore, #tpu.memory_space<semaphore_mem>>)
    %dma_wait3A_474 = arith.constant 2 : i32
    %dma_wait3A_475 = arith.constant 2 : i32
    %dma_wait3A_476 = tpu.memref_slice %arg4[%dma_wait3A_475] : memref<4x!tpu.dma_semaphore, #tpu.memory_space<semaphore_mem>> -> memref<1x!tpu.dma_semaphore, #tpu.memory_space<semaphore_mem>>
    %dma_wait3A_477 = tpu.memref_squeeze %dma_wait3A_476 : memref<1x!tpu.dma_semaphore, #tpu.memory_space<semaphore_mem>> -> memref<!tpu.dma_semaphore, #tpu.memory_space<semaphore_mem>>
    %dma_wait3A_478 = arith.constant 0 : i32
    %dma_wait3A_479 = arith.constant 0 : i32
    %dma_wait3A_480 = tpu.memref_slice %arg3[%dma_wait3A_474, %dma_wait3A_478, %dma_wait3A_479] : memref<4x4360x128xf32, #tpu.memory_space<vmem>> -> memref<1x4360x128xf32, #tpu.memory_space<vmem>>
    %dma_wait3A_481 = tpu.memref_squeeze %dma_wait3A_480 : memref<1x4360x128xf32, #tpu.memory_space<vmem>> -> memref<4360x128xf32, #tpu.memory_space<vmem>>
    %dma_wait3A_482 = arith.constant 61040 : i32
    %dma_wait3A_483 = arith.constant 0 : i32
    %dma_wait3A_484 = tpu.memref_slice %arg1[%dma_wait3A_482, %dma_wait3A_483] : memref<100000x128xf32, #tpu.memory_space<any>> -> memref<4360x128xf32, #tpu.memory_space<any>>
    tpu.wait_dma2 semaphore(%dma_wait3A_477 : memref<!tpu.dma_semaphore, #tpu.memory_space<semaphore_mem>>) src(%dma_wait3A_484 : memref<4360x128xf32, #tpu.memory_space<any>>) dst(%dma_wait3A_481 : memref<4360x128xf32, #tpu.memory_space<vmem>>)
    %get3A_485 = arith.constant 2 : index
    %get3A_486 = arith.constant 0 : index
    %get3A_487 = arith.constant 0 : index
    %get3A_488 = vector.load %arg3[%get3A_485, %get3A_486, %get3A_487] : memref<4x4360x128xf32, #tpu.memory_space<vmem>>, vector<1x4360x128xf32>
    %get3A_489 = vector.shape_cast %get3A_488 : vector<1x4360x128xf32> to vector<4360x128xf32>
    %reduce_sum3A_490 = arith.constant dense<0.000000e+00> : vector<128xf32>
    %reduce_sum3A_491 = vector.multi_reduction <add>, %get3A_489, %reduce_sum3A_490 [0] : vector<4360x128xf32> to vector<128xf32>
    %broadcast_in_dim3A_492 = vector.shape_cast %reduce_sum3A_491 : vector<128xf32> to vector<1x128xf32>
    %add3A_493 = arith.addf %add3A_462, %broadcast_in_dim3A_492 : vector<1x128xf32>
    %dma_start3A_494 = arith.constant 2 : i32
    %dma_start3A_495 = arith.constant 2 : i32
    %dma_start3A_496 = tpu.memref_slice %arg4[%dma_start3A_495] : memref<4x!tpu.dma_semaphore, #tpu.memory_space<semaphore_mem>> -> memref<1x!tpu.dma_semaphore, #tpu.memory_space<semaphore_mem>>
    %dma_start3A_497 = tpu.memref_squeeze %dma_start3A_496 : memref<1x!tpu.dma_semaphore, #tpu.memory_space<semaphore_mem>> -> memref<!tpu.dma_semaphore, #tpu.memory_space<semaphore_mem>>
    %dma_start3A_498 = arith.constant 0 : i32
    %dma_start3A_499 = arith.constant 0 : i32
    %dma_start3A_500 = tpu.memref_slice %arg3[%dma_start3A_494, %dma_start3A_498, %dma_start3A_499] : memref<4x4360x128xf32, #tpu.memory_space<vmem>> -> memref<1x4360x128xf32, #tpu.memory_space<vmem>>
    %dma_start3A_501 = tpu.memref_squeeze %dma_start3A_500 : memref<1x4360x128xf32, #tpu.memory_space<vmem>> -> memref<4360x128xf32, #tpu.memory_space<vmem>>
    %dma_start3A_502 = arith.constant 78480 : i32
    %dma_start3A_503 = arith.constant 0 : i32
    %dma_start3A_504 = tpu.memref_slice %arg1[%dma_start3A_502, %dma_start3A_503] : memref<100000x128xf32, #tpu.memory_space<any>> -> memref<4360x128xf32, #tpu.memory_space<any>>
    tpu.enqueue_dma source(%dma_start3A_504 : memref<4360x128xf32, #tpu.memory_space<any>>) target(%dma_start3A_501 : memref<4360x128xf32, #tpu.memory_space<vmem>>) target_semaphore(%dma_start3A_497 : memref<!tpu.dma_semaphore, #tpu.memory_space<semaphore_mem>>)
    %dma_wait3A_505 = arith.constant 3 : i32
    %dma_wait3A_506 = arith.constant 3 : i32
    %dma_wait3A_507 = tpu.memref_slice %arg4[%dma_wait3A_506] : memref<4x!tpu.dma_semaphore, #tpu.memory_space<semaphore_mem>> -> memref<1x!tpu.dma_semaphore, #tpu.memory_space<semaphore_mem>>
    %dma_wait3A_508 = tpu.memref_squeeze %dma_wait3A_507 : memref<1x!tpu.dma_semaphore, #tpu.memory_space<semaphore_mem>> -> memref<!tpu.dma_semaphore, #tpu.memory_space<semaphore_mem>>
    %dma_wait3A_509 = arith.constant 0 : i32
    %dma_wait3A_510 = arith.constant 0 : i32
    %dma_wait3A_511 = tpu.memref_slice %arg3[%dma_wait3A_505, %dma_wait3A_509, %dma_wait3A_510] : memref<4x4360x128xf32, #tpu.memory_space<vmem>> -> memref<1x4360x128xf32, #tpu.memory_space<vmem>>
    %dma_wait3A_512 = tpu.memref_squeeze %dma_wait3A_511 : memref<1x4360x128xf32, #tpu.memory_space<vmem>> -> memref<4360x128xf32, #tpu.memory_space<vmem>>
    %dma_wait3A_513 = arith.constant 65400 : i32
    %dma_wait3A_514 = arith.constant 0 : i32
    %dma_wait3A_515 = tpu.memref_slice %arg1[%dma_wait3A_513, %dma_wait3A_514] : memref<100000x128xf32, #tpu.memory_space<any>> -> memref<4360x128xf32, #tpu.memory_space<any>>
    tpu.wait_dma2 semaphore(%dma_wait3A_508 : memref<!tpu.dma_semaphore, #tpu.memory_space<semaphore_mem>>) src(%dma_wait3A_515 : memref<4360x128xf32, #tpu.memory_space<any>>) dst(%dma_wait3A_512 : memref<4360x128xf32, #tpu.memory_space<vmem>>)
    %get3A_516 = arith.constant 3 : index
    %get3A_517 = arith.constant 0 : index
    %get3A_518 = arith.constant 0 : index
    %get3A_519 = vector.load %arg3[%get3A_516, %get3A_517, %get3A_518] : memref<4x4360x128xf32, #tpu.memory_space<vmem>>, vector<1x4360x128xf32>
    %get3A_520 = vector.shape_cast %get3A_519 : vector<1x4360x128xf32> to vector<4360x128xf32>
    %reduce_sum3A_521 = arith.constant dense<0.000000e+00> : vector<128xf32>
    %reduce_sum3A_522 = vector.multi_reduction <add>, %get3A_520, %reduce_sum3A_521 [0] : vector<4360x128xf32> to vector<128xf32>
    %broadcast_in_dim3A_523 = vector.shape_cast %reduce_sum3A_522 : vector<128xf32> to vector<1x128xf32>
    %add3A_524 = arith.addf %add3A_493, %broadcast_in_dim3A_523 : vector<1x128xf32>
    %dma_start3A_525 = arith.constant 3 : i32
    %dma_start3A_526 = arith.constant 3 : i32
    %dma_start3A_527 = tpu.memref_slice %arg4[%dma_start3A_526] : memref<4x!tpu.dma_semaphore, #tpu.memory_space<semaphore_mem>> -> memref<1x!tpu.dma_semaphore, #tpu.memory_space<semaphore_mem>>
    %dma_start3A_528 = tpu.memref_squeeze %dma_start3A_527 : memref<1x!tpu.dma_semaphore, #tpu.memory_space<semaphore_mem>> -> memref<!tpu.dma_semaphore, #tpu.memory_space<semaphore_mem>>
    %dma_start3A_529 = arith.constant 0 : i32
    %dma_start3A_530 = arith.constant 0 : i32
    %dma_start3A_531 = tpu.memref_slice %arg3[%dma_start3A_525, %dma_start3A_529, %dma_start3A_530] : memref<4x4360x128xf32, #tpu.memory_space<vmem>> -> memref<1x4360x128xf32, #tpu.memory_space<vmem>>
    %dma_start3A_532 = tpu.memref_squeeze %dma_start3A_531 : memref<1x4360x128xf32, #tpu.memory_space<vmem>> -> memref<4360x128xf32, #tpu.memory_space<vmem>>
    %dma_start3A_533 = arith.constant 82840 : i32
    %dma_start3A_534 = arith.constant 0 : i32
    %dma_start3A_535 = tpu.memref_slice %arg1[%dma_start3A_533, %dma_start3A_534] : memref<100000x128xf32, #tpu.memory_space<any>> -> memref<4360x128xf32, #tpu.memory_space<any>>
    tpu.enqueue_dma source(%dma_start3A_535 : memref<4360x128xf32, #tpu.memory_space<any>>) target(%dma_start3A_532 : memref<4360x128xf32, #tpu.memory_space<vmem>>) target_semaphore(%dma_start3A_528 : memref<!tpu.dma_semaphore, #tpu.memory_space<semaphore_mem>>)
    %dma_wait3A_536 = arith.constant 0 : i32
    %dma_wait3A_537 = arith.constant 0 : i32
    %dma_wait3A_538 = tpu.memref_slice %arg4[%dma_wait3A_537] : memref<4x!tpu.dma_semaphore, #tpu.memory_space<semaphore_mem>> -> memref<1x!tpu.dma_semaphore, #tpu.memory_space<semaphore_mem>>
    %dma_wait3A_539 = tpu.memref_squeeze %dma_wait3A_538 : memref<1x!tpu.dma_semaphore, #tpu.memory_space<semaphore_mem>> -> memref<!tpu.dma_semaphore, #tpu.memory_space<semaphore_mem>>
    %dma_wait3A_540 = arith.constant 0 : i32
    %dma_wait3A_541 = arith.constant 0 : i32
    %dma_wait3A_542 = tpu.memref_slice %arg3[%dma_wait3A_536, %dma_wait3A_540, %dma_wait3A_541] : memref<4x4360x128xf32, #tpu.memory_space<vmem>> -> memref<1x4360x128xf32, #tpu.memory_space<vmem>>
    %dma_wait3A_543 = tpu.memref_squeeze %dma_wait3A_542 : memref<1x4360x128xf32, #tpu.memory_space<vmem>> -> memref<4360x128xf32, #tpu.memory_space<vmem>>
    %dma_wait3A_544 = arith.constant 69760 : i32
    %dma_wait3A_545 = arith.constant 0 : i32
    %dma_wait3A_546 = tpu.memref_slice %arg1[%dma_wait3A_544, %dma_wait3A_545] : memref<100000x128xf32, #tpu.memory_space<any>> -> memref<4360x128xf32, #tpu.memory_space<any>>
    tpu.wait_dma2 semaphore(%dma_wait3A_539 : memref<!tpu.dma_semaphore, #tpu.memory_space<semaphore_mem>>) src(%dma_wait3A_546 : memref<4360x128xf32, #tpu.memory_space<any>>) dst(%dma_wait3A_543 : memref<4360x128xf32, #tpu.memory_space<vmem>>)
    %get3A_547 = arith.constant 0 : index
    %get3A_548 = arith.constant 0 : index
    %get3A_549 = arith.constant 0 : index
    %get3A_550 = vector.load %arg3[%get3A_547, %get3A_548, %get3A_549] : memref<4x4360x128xf32, #tpu.memory_space<vmem>>, vector<1x4360x128xf32>
    %get3A_551 = vector.shape_cast %get3A_550 : vector<1x4360x128xf32> to vector<4360x128xf32>
    %reduce_sum3A_552 = arith.constant dense<0.000000e+00> : vector<128xf32>
    %reduce_sum3A_553 = vector.multi_reduction <add>, %get3A_551, %reduce_sum3A_552 [0] : vector<4360x128xf32> to vector<128xf32>
    %broadcast_in_dim3A_554 = vector.shape_cast %reduce_sum3A_553 : vector<128xf32> to vector<1x128xf32>
    %add3A_555 = arith.addf %add3A_524, %broadcast_in_dim3A_554 : vector<1x128xf32>
    %dma_wait3A_556 = arith.constant 1 : i32
    %dma_wait3A_557 = arith.constant 1 : i32
    %dma_wait3A_558 = tpu.memref_slice %arg4[%dma_wait3A_557] : memref<4x!tpu.dma_semaphore, #tpu.memory_space<semaphore_mem>> -> memref<1x!tpu.dma_semaphore, #tpu.memory_space<semaphore_mem>>
    %dma_wait3A_559 = tpu.memref_squeeze %dma_wait3A_558 : memref<1x!tpu.dma_semaphore, #tpu.memory_space<semaphore_mem>> -> memref<!tpu.dma_semaphore, #tpu.memory_space<semaphore_mem>>
    %dma_wait3A_560 = arith.constant 0 : i32
    %dma_wait3A_561 = arith.constant 0 : i32
    %dma_wait3A_562 = tpu.memref_slice %arg3[%dma_wait3A_556, %dma_wait3A_560, %dma_wait3A_561] : memref<4x4360x128xf32, #tpu.memory_space<vmem>> -> memref<1x4360x128xf32, #tpu.memory_space<vmem>>
    %dma_wait3A_563 = tpu.memref_squeeze %dma_wait3A_562 : memref<1x4360x128xf32, #tpu.memory_space<vmem>> -> memref<4360x128xf32, #tpu.memory_space<vmem>>
    %dma_wait3A_564 = arith.constant 74120 : i32
    %dma_wait3A_565 = arith.constant 0 : i32
    %dma_wait3A_566 = tpu.memref_slice %arg1[%dma_wait3A_564, %dma_wait3A_565] : memref<100000x128xf32, #tpu.memory_space<any>> -> memref<4360x128xf32, #tpu.memory_space<any>>
    tpu.wait_dma2 semaphore(%dma_wait3A_559 : memref<!tpu.dma_semaphore, #tpu.memory_space<semaphore_mem>>) src(%dma_wait3A_566 : memref<4360x128xf32, #tpu.memory_space<any>>) dst(%dma_wait3A_563 : memref<4360x128xf32, #tpu.memory_space<vmem>>)
    %get3A_567 = arith.constant 1 : index
    %get3A_568 = arith.constant 0 : index
    %get3A_569 = arith.constant 0 : index
    %get3A_570 = vector.load %arg3[%get3A_567, %get3A_568, %get3A_569] : memref<4x4360x128xf32, #tpu.memory_space<vmem>>, vector<1x4360x128xf32>
    %get3A_571 = vector.shape_cast %get3A_570 : vector<1x4360x128xf32> to vector<4360x128xf32>
    %reduce_sum3A_572 = arith.constant dense<0.000000e+00> : vector<128xf32>
    %reduce_sum3A_573 = vector.multi_reduction <add>, %get3A_571, %reduce_sum3A_572 [0] : vector<4360x128xf32> to vector<128xf32>
    %broadcast_in_dim3A_574 = vector.shape_cast %reduce_sum3A_573 : vector<128xf32> to vector<1x128xf32>
    %add3A_575 = arith.addf %add3A_555, %broadcast_in_dim3A_574 : vector<1x128xf32>
    %dma_wait3A_576 = arith.constant 2 : i32
    %dma_wait3A_577 = arith.constant 2 : i32
    %dma_wait3A_578 = tpu.memref_slice %arg4[%dma_wait3A_577] : memref<4x!tpu.dma_semaphore, #tpu.memory_space<semaphore_mem>> -> memref<1x!tpu.dma_semaphore, #tpu.memory_space<semaphore_mem>>
    %dma_wait3A_579 = tpu.memref_squeeze %dma_wait3A_578 : memref<1x!tpu.dma_semaphore, #tpu.memory_space<semaphore_mem>> -> memref<!tpu.dma_semaphore, #tpu.memory_space<semaphore_mem>>
    %dma_wait3A_580 = arith.constant 0 : i32
    %dma_wait3A_581 = arith.constant 0 : i32
    %dma_wait3A_582 = tpu.memref_slice %arg3[%dma_wait3A_576, %dma_wait3A_580, %dma_wait3A_581] : memref<4x4360x128xf32, #tpu.memory_space<vmem>> -> memref<1x4360x128xf32, #tpu.memory_space<vmem>>
    %dma_wait3A_583 = tpu.memref_squeeze %dma_wait3A_582 : memref<1x4360x128xf32, #tpu.memory_space<vmem>> -> memref<4360x128xf32, #tpu.memory_space<vmem>>
    %dma_wait3A_584 = arith.constant 78480 : i32
    %dma_wait3A_585 = arith.constant 0 : i32
    %dma_wait3A_586 = tpu.memref_slice %arg1[%dma_wait3A_584, %dma_wait3A_585] : memref<100000x128xf32, #tpu.memory_space<any>> -> memref<4360x128xf32, #tpu.memory_space<any>>
    tpu.wait_dma2 semaphore(%dma_wait3A_579 : memref<!tpu.dma_semaphore, #tpu.memory_space<semaphore_mem>>) src(%dma_wait3A_586 : memref<4360x128xf32, #tpu.memory_space<any>>) dst(%dma_wait3A_583 : memref<4360x128xf32, #tpu.memory_space<vmem>>)
    %get3A_587 = arith.constant 2 : index
    %get3A_588 = arith.constant 0 : index
    %get3A_589 = arith.constant 0 : index
    %get3A_590 = vector.load %arg3[%get3A_587, %get3A_588, %get3A_589] : memref<4x4360x128xf32, #tpu.memory_space<vmem>>, vector<1x4360x128xf32>
    %get3A_591 = vector.shape_cast %get3A_590 : vector<1x4360x128xf32> to vector<4360x128xf32>
    %reduce_sum3A_592 = arith.constant dense<0.000000e+00> : vector<128xf32>
    %reduce_sum3A_593 = vector.multi_reduction <add>, %get3A_591, %reduce_sum3A_592 [0] : vector<4360x128xf32> to vector<128xf32>
    %broadcast_in_dim3A_594 = vector.shape_cast %reduce_sum3A_593 : vector<128xf32> to vector<1x128xf32>
    %add3A_595 = arith.addf %add3A_575, %broadcast_in_dim3A_594 : vector<1x128xf32>
    %dma_wait3A_596 = arith.constant 3 : i32
    %dma_wait3A_597 = arith.constant 3 : i32
    %dma_wait3A_598 = tpu.memref_slice %arg4[%dma_wait3A_597] : memref<4x!tpu.dma_semaphore, #tpu.memory_space<semaphore_mem>> -> memref<1x!tpu.dma_semaphore, #tpu.memory_space<semaphore_mem>>
    %dma_wait3A_599 = tpu.memref_squeeze %dma_wait3A_598 : memref<1x!tpu.dma_semaphore, #tpu.memory_space<semaphore_mem>> -> memref<!tpu.dma_semaphore, #tpu.memory_space<semaphore_mem>>
    %dma_wait3A_600 = arith.constant 0 : i32
    %dma_wait3A_601 = arith.constant 0 : i32
    %dma_wait3A_602 = tpu.memref_slice %arg3[%dma_wait3A_596, %dma_wait3A_600, %dma_wait3A_601] : memref<4x4360x128xf32, #tpu.memory_space<vmem>> -> memref<1x4360x128xf32, #tpu.memory_space<vmem>>
    %dma_wait3A_603 = tpu.memref_squeeze %dma_wait3A_602 : memref<1x4360x128xf32, #tpu.memory_space<vmem>> -> memref<4360x128xf32, #tpu.memory_space<vmem>>
    %dma_wait3A_604 = arith.constant 82840 : i32
    %dma_wait3A_605 = arith.constant 0 : i32
    %dma_wait3A_606 = tpu.memref_slice %arg1[%dma_wait3A_604, %dma_wait3A_605] : memref<100000x128xf32, #tpu.memory_space<any>> -> memref<4360x128xf32, #tpu.memory_space<any>>
    tpu.wait_dma2 semaphore(%dma_wait3A_599 : memref<!tpu.dma_semaphore, #tpu.memory_space<semaphore_mem>>) src(%dma_wait3A_606 : memref<4360x128xf32, #tpu.memory_space<any>>) dst(%dma_wait3A_603 : memref<4360x128xf32, #tpu.memory_space<vmem>>)
    %get3A_607 = arith.constant 3 : index
    %get3A_608 = arith.constant 0 : index
    %get3A_609 = arith.constant 0 : index
    %get3A_610 = vector.load %arg3[%get3A_607, %get3A_608, %get3A_609] : memref<4x4360x128xf32, #tpu.memory_space<vmem>>, vector<1x4360x128xf32>
    %get3A_611 = vector.shape_cast %get3A_610 : vector<1x4360x128xf32> to vector<4360x128xf32>
    %reduce_sum3A_612 = arith.constant dense<0.000000e+00> : vector<128xf32>
    %reduce_sum3A_613 = vector.multi_reduction <add>, %get3A_611, %reduce_sum3A_612 [0] : vector<4360x128xf32> to vector<128xf32>
    %broadcast_in_dim3A_614 = vector.shape_cast %reduce_sum3A_613 : vector<128xf32> to vector<1x128xf32>
    %add3A_615 = arith.addf %add3A_595, %broadcast_in_dim3A_614 : vector<1x128xf32>
    %swap3A = arith.constant 0 : index
    %swap3A_616 = arith.constant 0 : index
    %swap3A_617 = vector.load %arg2[%swap3A, %swap3A_616] : memref<1x128xf32, #tpu.memory_space<vmem>>, vector<1x128xf32>
    tpu.vector_store %arg2[%swap3A, %swap3A_616], %add3A_615 {strides = array<i32>} : memref<1x128xf32, #tpu.memory_space<vmem>>, vector<1x128xf32>,
    return
  }
  func.func @transform_1(%arg0: i32) -> (i32, i32) {
    %c0_i32 = arith.constant 0 : i32
    %c0_i32_0 = arith.constant 0 : i32
    %c0_i32_1 = arith.constant 0 : i32
    return %c0_i32, %c0_i32_0 : i32, i32
  }
}

module attributes {stable_mosaic.version = 14 : i64} {
  func.func @_finish_kernel(%arg0: i32, %arg1: memref<32x128xf32, #tpu.memory_space<vmem>>, %arg2: memref<1x128xf32, #tpu.memory_space<vmem>>, %arg3: memref<8x128xf32, #tpu.memory_space<vmem>>, %arg4: memref<128x128xf32, #tpu.memory_space<vmem>>, %arg5: memref<128x128xf32, #tpu.memory_space<vmem>>, %arg6: memref<128x128xf32, #tpu.memory_space<vmem>>, %arg7: memref<1x128xf32, #tpu.memory_space<vmem>>, %arg8: memref<256x128xf32, #tpu.memory_space<vmem>>, %arg9: memref<1x256xf32, #tpu.memory_space<vmem>>, %arg10: memref<64x256xf32, #tpu.memory_space<vmem>>, %arg11: memref<1x64xf32, #tpu.memory_space<vmem>>, %arg12: memref<1x64xf32, #tpu.memory_space<vmem>>) attributes {dimension_semantics = [#tpu.dimension_semantics<arbitrary>], iteration_bounds = array<i64: 1>, scalar_prefetch = 0 : i64, scratch_operands = 0 : i64, tpu.core_type = #tpu.core_type<tc>, window_params = [{pipeline_mode = #tpu.pipeline_mode<synchronous>, transform_indices = @transform_0, window_bounds = array<i64: 32, 128>}, {pipeline_mode = #tpu.pipeline_mode<synchronous>, transform_indices = @transform_1, window_bounds = array<i64: 1, 128>}, {transform_indices = @transform_2, window_bounds = array<i64: 8, 128>}, {pipeline_mode = #tpu.pipeline_mode<synchronous>, transform_indices = @transform_3, window_bounds = array<i64: 128, 128>}, {pipeline_mode = #tpu.pipeline_mode<synchronous>, transform_indices = @transform_4, window_bounds = array<i64: 128, 128>}, {pipeline_mode = #tpu.pipeline_mode<synchronous>, transform_indices = @transform_5, window_bounds = array<i64: 128, 128>}, {pipeline_mode = #tpu.pipeline_mode<synchronous>, transform_indices = @transform_6, window_bounds = array<i64: 1, 128>}, {pipeline_mode = #tpu.pipeline_mode<synchronous>, transform_indices = @transform_7, window_bounds = array<i64: 256, 128>}, {pipeline_mode = #tpu.pipeline_mode<synchronous>, transform_indices = @transform_8, window_bounds = array<i64: 1, 256>}, {pipeline_mode = #tpu.pipeline_mode<synchronous>, transform_indices = @transform_9, window_bounds = array<i64: 64, 256>}, {pipeline_mode = #tpu.pipeline_mode<synchronous>, transform_indices = @transform_10, window_bounds = array<i64: 1, 64>}, {pipeline_mode = #tpu.pipeline_mode<synchronous>, transform_indices = @transform_11, window_bounds = array<i64: 1, 64>}]} {
    %get3A = arith.constant 0 : index
    %get3A_0 = arith.constant 0 : index
    %get3A_1 = vector.load %arg1[%get3A, %get3A_0] : memref<32x128xf32, #tpu.memory_space<vmem>>, vector<32x128xf32>
    %reduce_sum3A = arith.constant dense<0.000000e+00> : vector<128xf32>
    %reduce_sum3A_2 = vector.multi_reduction <add>, %get3A_1, %reduce_sum3A [0] : vector<32x128xf32> to vector<128xf32>
    %broadcast_in_dim3A = vector.shape_cast %reduce_sum3A_2 : vector<128xf32> to vector<1x128xf32>
    %get3A_3 = arith.constant 0 : index
    %get3A_4 = arith.constant 0 : index
    %get3A_5 = vector.load %arg2[%get3A_3, %get3A_4] : memref<1x128xf32, #tpu.memory_space<vmem>>, vector<1x128xf32>
    %add3A = arith.addf %broadcast_in_dim3A, %get3A_5 : vector<1x128xf32>
    %mul3A = arith.constant 9.99999974E-6 : f32
    %mul3A_6 = vector.broadcast %mul3A : f32 to vector<1x128xf32>
    %mul3A_7 = arith.mulf %add3A, %mul3A_6 : vector<1x128xf32>
    %get3A_8 = arith.constant 0 : index
    %get3A_9 = arith.constant 0 : index
    %get3A_10 = vector.load %arg3[%get3A_8, %get3A_9] : memref<8x128xf32, #tpu.memory_space<vmem>>, vector<1x128xf32>
    %get3A_11 = arith.constant 0 : index
    %get3A_12 = arith.constant 0 : index
    %get3A_13 = vector.load %arg4[%get3A_11, %get3A_12] : memref<128x128xf32, #tpu.memory_space<vmem>>, vector<128x128xf32>
    %get3A_14 = arith.constant 0 : index
    %get3A_15 = arith.constant 0 : index
    %get3A_16 = vector.load %arg6[%get3A_14, %get3A_15] : memref<128x128xf32, #tpu.memory_space<vmem>>, vector<128x128xf32>
    %sub3A = arith.subf %get3A_13, %get3A_16 : vector<128x128xf32>
    %get3A_17 = arith.constant 0 : index
    %get3A_18 = arith.constant 0 : index
    %get3A_19 = vector.load %arg6[%get3A_17, %get3A_18] : memref<128x128xf32, #tpu.memory_space<vmem>>, vector<128x128xf32>
    %mul3A_20 = arith.constant 1.800000e+01 : f32
    %mul3A_21 = vector.broadcast %mul3A_20 : f32 to vector<128x128xf32>
    %mul3A_22 = arith.mulf %mul3A_21, %get3A_19 : vector<128x128xf32>
    %get3A_23 = arith.constant 0 : index
    %get3A_24 = arith.constant 0 : index
    %get3A_25 = vector.load %arg5[%get3A_23, %get3A_24] : memref<128x128xf32, #tpu.memory_space<vmem>>, vector<128x128xf32>
    %mul3A_26 = arith.constant 3.000000e+00 : f32
    %mul3A_27 = vector.broadcast %mul3A_26 : f32 to vector<128x128xf32>
    %mul3A_28 = arith.mulf %mul3A_27, %get3A_25 : vector<128x128xf32>
    %sub3A_29 = arith.subf %mul3A_22, %mul3A_28 : vector<128x128xf32>
    %dot_general3A = arith.constant dense<0.000000e+00> : vector<1x128xf32>
    %dot_general3A_30 = tpu.matmul %mul3A_7, %sub3A, %dot_general3A {dimension_numbers = #tpu.dot_dimension_numbers<[1], [1], [0], [0], [0, 0, 1, 0], [], []>, transpose_lhs_hint = false} : vector<1x128xf32>, vector<128x128xf32>, vector<1x128xf32> -> vector<1x128xf32>
    %dot_general3A_31 = arith.constant dense<0.000000e+00> : vector<1x128xf32>
    %dot_general3A_32 = tpu.matmul %get3A_10, %sub3A_29, %dot_general3A_31 {dimension_numbers = #tpu.dot_dimension_numbers<[1], [1], [0], [0], [0, 0, 1, 0], [], []>, transpose_lhs_hint = false} : vector<1x128xf32>, vector<128x128xf32>, vector<1x128xf32> -> vector<1x128xf32>
    %mul3A_33 = arith.constant 9.99999974E-6 : f32
    %mul3A_34 = vector.broadcast %mul3A_33 : f32 to vector<1x128xf32>
    %mul3A_35 = arith.mulf %mul3A_34, %dot_general3A_32 : vector<1x128xf32>
    %add3A_36 = arith.addf %dot_general3A_30, %mul3A_35 : vector<1x128xf32>
    %get3A_37 = arith.constant 0 : index
    %get3A_38 = arith.constant 0 : index
    %get3A_39 = vector.load %arg7[%get3A_37, %get3A_38] : memref<1x128xf32, #tpu.memory_space<vmem>>, vector<1x128xf32>
    %add3A_40 = arith.addf %add3A_36, %get3A_39 : vector<1x128xf32>
    %get3A_41 = arith.constant 0 : index
    %get3A_42 = arith.constant 0 : index
    %get3A_43 = vector.load %arg8[%get3A_41, %get3A_42] : memref<256x128xf32, #tpu.memory_space<vmem>>, vector<256x128xf32>
    %dot_general3A_44 = arith.constant dense<0.000000e+00> : vector<1x256xf32>
    %dot_general3A_45 = tpu.matmul %add3A_40, %get3A_43, %dot_general3A_44 {dimension_numbers = #tpu.dot_dimension_numbers<[1], [1], [0], [0], [0, 0, 1, 0], [], []>, transpose_lhs_hint = false} : vector<1x128xf32>, vector<256x128xf32>, vector<1x256xf32> -> vector<1x256xf32>
    %get3A_46 = arith.constant 0 : index
    %get3A_47 = arith.constant 0 : index
    %get3A_48 = vector.load %arg9[%get3A_46, %get3A_47] : memref<1x256xf32, #tpu.memory_space<vmem>>, vector<1x256xf32>
    %add3A_49 = arith.addf %dot_general3A_45, %get3A_48 : vector<1x256xf32>
    %get3A_50 = arith.constant 0 : index
    %get3A_51 = arith.constant 0 : index
    %get3A_52 = vector.load %arg10[%get3A_50, %get3A_51] : memref<64x256xf32, #tpu.memory_space<vmem>>, vector<64x256xf32>
    %dot_general3A_53 = arith.constant dense<0.000000e+00> : vector<1x64xf32>
    %dot_general3A_54 = tpu.matmul %add3A_49, %get3A_52, %dot_general3A_53 {dimension_numbers = #tpu.dot_dimension_numbers<[1], [1], [0], [0], [0, 0, 1, 0], [], []>, transpose_lhs_hint = false} : vector<1x256xf32>, vector<64x256xf32>, vector<1x64xf32> -> vector<1x64xf32>
    %get3A_55 = arith.constant 0 : index
    %get3A_56 = arith.constant 0 : index
    %get3A_57 = vector.load %arg11[%get3A_55, %get3A_56] : memref<1x64xf32, #tpu.memory_space<vmem>>, vector<1x64xf32>
    %add3A_58 = arith.addf %dot_general3A_54, %get3A_57 : vector<1x64xf32>
    %swap3A = arith.constant 0 : index
    %swap3A_59 = arith.constant 0 : index
    %swap3A_60 = vector.load %arg12[%swap3A, %swap3A_59] : memref<1x64xf32, #tpu.memory_space<vmem>>, vector<1x64xf32>
    tpu.vector_store %arg12[%swap3A, %swap3A_59], %add3A_58 {strides = array<i32>} : memref<1x64xf32, #tpu.memory_space<vmem>>, vector<1x64xf32>,
    return
  }
  func.func @transform_0(%arg0: i32) -> (i32, i32) {
    %c0_i32 = arith.constant 0 : i32
    %c0_i32_0 = arith.constant 0 : i32
    %c0_i32_1 = arith.constant 0 : i32
    return %c0_i32, %c0_i32_0 : i32, i32
  }
  func.func @transform_1(%arg0: i32) -> (i32, i32) {
    %c0_i32 = arith.constant 0 : i32
    %c0_i32_0 = arith.constant 0 : i32
    %c0_i32_1 = arith.constant 0 : i32
    return %c0_i32, %c0_i32_0 : i32, i32
  }
  func.func @transform_2(%arg0: i32) -> (i32, i32) {
    %c0_i32 = arith.constant 0 : i32
    %c0_i32_0 = arith.constant 0 : i32
    %c0_i32_1 = arith.constant 0 : i32
    return %c0_i32, %c0_i32_0 : i32, i32
  }
  func.func @transform_3(%arg0: i32) -> (i32, i32) {
    %c0_i32 = arith.constant 0 : i32
    %c0_i32_0 = arith.constant 0 : i32
    %c0_i32_1 = arith.constant 0 : i32
    return %c0_i32, %c0_i32_0 : i32, i32
  }
  func.func @transform_4(%arg0: i32) -> (i32, i32) {
    %c0_i32 = arith.constant 0 : i32
    %c0_i32_0 = arith.constant 0 : i32
    %c0_i32_1 = arith.constant 0 : i32
    return %c0_i32, %c0_i32_0 : i32, i32
  }
  func.func @transform_5(%arg0: i32) -> (i32, i32) {
    %c0_i32 = arith.constant 0 : i32
    %c0_i32_0 = arith.constant 0 : i32
    %c0_i32_1 = arith.constant 0 : i32
    return %c0_i32, %c0_i32_0 : i32, i32
  }
  func.func @transform_6(%arg0: i32) -> (i32, i32) {
    %c0_i32 = arith.constant 0 : i32
    %c0_i32_0 = arith.constant 0 : i32
    %c0_i32_1 = arith.constant 0 : i32
    return %c0_i32, %c0_i32_0 : i32, i32
  }
  func.func @transform_7(%arg0: i32) -> (i32, i32) {
    %c0_i32 = arith.constant 0 : i32
    %c0_i32_0 = arith.constant 0 : i32
    %c0_i32_1 = arith.constant 0 : i32
    return %c0_i32, %c0_i32_0 : i32, i32
  }
  func.func @transform_8(%arg0: i32) -> (i32, i32) {
    %c0_i32 = arith.constant 0 : i32
    %c0_i32_0 = arith.constant 0 : i32
    %c0_i32_1 = arith.constant 0 : i32
    return %c0_i32, %c0_i32_0 : i32, i32
  }
  func.func @transform_9(%arg0: i32) -> (i32, i32) {
    %c0_i32 = arith.constant 0 : i32
    %c0_i32_0 = arith.constant 0 : i32
    %c0_i32_1 = arith.constant 0 : i32
    return %c0_i32, %c0_i32_0 : i32, i32
  }
  func.func @transform_10(%arg0: i32) -> (i32, i32) {
    %c0_i32 = arith.constant 0 : i32
    %c0_i32_0 = arith.constant 0 : i32
    %c0_i32_1 = arith.constant 0 : i32
    return %c0_i32, %c0_i32_0 : i32, i32
  }
  func.func @transform_11(%arg0: i32) -> (i32, i32) {
    %c0_i32 = arith.constant 0 : i32
    %c0_i32_0 = arith.constant 0 : i32
    %c0_i32_1 = arith.constant 0 : i32
    return %c0_i32, %c0_i32_0 : i32, i32
  }
}

</mosaic_0001>

<sc_bundles>
// kernel: kernel.5.cloned.1.call-start
scs
__scs_entry_jumppad:
0x0: {  	(pc) =	sbr.rel $0x88, $3  }
0x1: {  	(tag) =	ssettag $0x0;
	lr =	simm.s32 $0x1  }
0x2: {  	[smem:$0x3F98] =	sst lr;
	_ =	strace $0xD0000000  }
0x3: {  	_ = 	snop  }
0x4: {  	_ = 	snop  }
0x5: {  	_ = 	snop  }
0x6: {  	_ = 	snop  }
0x7: {  	_ = 	snop  }
__scs_overlays_trampoline_lowered:
0x8: {  	[smem:$0x3FA7] =	sst s0  }
0x9: {  	[smem:$0x3FA8] =	sst s1  }
0xa: {  	[smem:$0x3FA9] =	sst s2  }
0xb: {  	[smem:$0x3FAA] =	sst s3  }
0xc: {  	[smem:$0x3FAB] =	sst s4  }
0xd: {  	[smem:$0x3FAC] =	sst s5  }
0xe: {  	[smem:$0x3FAD] =	sst s6  }
0xf: {  	[smem:$0x3FAE] =	sst s7  }
0x10: {  	[smem:$0x3FAF] =	sst s8  }
0x11: {  	[smem:$0x3FB0] =	sst s9;
	s0 =	simm.s32 @!p0 $0x0  }
0x12: {  	s1 =	sld [smem:$0x3F96];
	s0 =	simm.s32 @p0 $0x1  }
0x13: {  	[smem:$0x3FB1] =	sst s0;
	s0 =	simm.s32 @!p1 $0x0  }
0x14: {  	s2 =	sld [smem:$0x3F95];
	s0 =	simm.s32 @p1 $0x1  }
0x15: {  	[smem:$0x3FB2] =	sst s0;
	s0 =	simm.s32 @!p2 $0x0  }
0x16: {  	s3 =	sld [smem:$0x3FDB];
	s0 =	simm.s32 @p2 $0x1  }
0x17: {  	s4 =	simm.s32 $0x1BF5;
	[smem:$0x3FB4] =	sst s0  }
0x18: {  	s0 =	sld [smem:$0x3F97];
	_ =	swait.ge [sflag:s4], $0x0  }
0x19: {  	s7 =	sld [smem:$0x3F98]  }
0x1a: {  	s8 =	sadd.s32 $0xFFFFE003, lr  }
0x1b: {  	s9 =	sadd.s32 $0xFFFFFEF7, lr;
	s5 =	simm.s32 $0xFFFFFFFF;
	p2 =	slt.u32 s8, $0xFFFFF086  }
0x1c: {  	p1 =	slt.u32 s9, $0xF7A;
	s5 =	simm.s32 @!p2 $0x0  }
0x1d: {  	s5 =	simm.s32 @p1 $0x1;
	p0 =	seq.s32 s7, s2  }
0x1e: {  	s7 =	smul.u32 @!p0 $0xF7A, s2;
	p2 =	seq.s32 @!p0 s5, $0x0  }
0x1f: {  	s9 =	smul.u32 $0xF7A, s1;
	s8 =	simm.s32 @!p0 $0x1BF5;
	p2 =	por !p2, p0  }
0x20: {  	[sflag:s8] =	ssyncset.s32 @!p0 $0xFFFFF086;
	s6 =	sadd.s32 @!p0 s3, s7;
	s7 =	simm.s32 @!p0 $0x108  }
0x21: {  	s3 =	sadd.s32 s3, s9;
	s6 =	sadd.s32 @!p0 $0x88, s6;
	s7 =	simm.s32 @p2 $0x1082  }
0x22: {  	[simem:s7], [sflag:s8] =	dma.local @!p0 [hbm:s6], $0xF7A  }
0x23: {  	s9 =	sor.u32 $0xD0000000, s2;
	s6 =	simm.s32 $0x108;
	_ =	swait.ge @!p0 [sflag:s8], $0x0  }
0x24: {  	s3 =	sadd.s32 $0x88, s3;
	s6 =	simm.s32 @!p1 $0x1082;
	[sflag:s4] =	ssyncset.s32 $0xFFFFF086  }
0x25: {  	[simem:s6], [sflag:s4] =	dma.local [hbm:s3], $0xF7A  }
0x26: {  	[smem:$0x3F98] =	sst s1;
	(tag) =	ssettag s2;
	_ =	strace s9  }
0x27: {  	s1 =	sld [smem:$0x3FA8]  }
0x28: {  	s2 =	sld [smem:$0x3FA9]  }
0x29: {  	s4 =	sld [smem:$0x3FAB]  }
0x2a: {  	p0 =	seq.s32 s5, $0x0;
	s5 =	sld [smem:$0x3FAC]  }
0x2b: {  	s6 =	sld [smem:$0x3FAD]  }
0x2c: {  	s7 =	sld [smem:$0x3FAE]  }
0x2d: {  	s3 =	simm.s32 $0x108;
	s8 =	sld [smem:$0x3FAF]  }
0x2e: {  	s3 =	simm.s32 @!p0 $0x1082;
	s9 =	sld [smem:$0x3FB0]  }
0x2f: {  	lr =	sadd.s32 s0, s3;
	s0 =	sld [smem:$0x3FA7]  }
0x30: {  	s3 =	sld [smem:$0x3FAA]  }
0x31: {  	[smem:$0x3FB3] =	sst s10  }
0x32: {  	s10 =	sld [smem:$0x3FB1];
	_ =	sdelay $0x3  }
0x33: {  	p0 =	seq.s32 s10, $0x1;
	s10 =	sld [smem:$0x3FB3];
	_ =	sdelay $0x3  }
0x34: {  	[smem:$0x3FB3] =	sst s10  }
0x35: {  	s10 =	sld [smem:$0x3FB2];
	_ =	sdelay $0x3  }
0x36: {  	p1 =	seq.s32 s10, $0x1;
	s10 =	sld [smem:$0x3FB3];
	_ =	sdelay $0x3  }
0x37: {  	[smem:$0x3FB3] =	sst s10  }
0x38: {  	s10 =	sld [smem:$0x3FB4]  }
0x39: {  	_ = 	snop;
	(pc) =	sbr.ind lr, $3  }
0x3a: {  	_ = 	snop  }
0x3b: {  	_ = 	snop  }
0x3c: {  	p2 =	seq.s32 s10, $0x1;
	s10 =	sld [smem:$0x3FB3]  }
0x3d: {  	_ =	shalt  }
0x3e: {  	_ =	shalt  }
0x3f: {  	_ =	shalt  }
0x40: {  	_ =	shalt  }
0x41: {  	_ =	shalt  }
0x42: {  	_ =	shalt  }
0x43: {  	_ =	shalt  }
0x44: {  	_ =	shalt  }
0x45: {  	_ =	shalt  }
0x46: {  	_ =	shalt  }
0x47: {  	_ =	shalt  }
0x48: {  	_ =	shalt  }
0x49: {  	_ =	shalt  }
0x4a: {  	_ =	shalt  }
0x4b: {  	_ =	shalt  }
0x4c: {  	_ =	shalt  }
0x4d: {  	_ =	shalt  }
0x4e: {  	_ =	shalt  }
0x4f: {  	_ =	shalt  }
0x50: {  	_ =	shalt  }
0x51: {  	_ =	shalt  }
0x52: {  	_ =	shalt  }
0x53: {  	_ =	shalt  }
0x54: {  	_ =	shalt  }
0x55: {  	_ =	shalt  }
0x56: {  	_ =	shalt  }
0x57: {  	_ =	shalt  }
0x58: {  	_ =	shalt  }
0x59: {  	_ =	shalt  }
0x5a: {  	_ =	shalt  }
0x5b: {  	_ =	shalt  }
0x5c: {  	_ =	shalt  }
0x5d: {  	_ =	shalt  }
0x5e: {  	_ =	shalt  }
0x5f: {  	_ =	shalt  }
0x60: {  	_ =	shalt  }
0x61: {  	_ =	shalt  }
0x62: {  	_ =	shalt  }
0x63: {  	_ =	shalt  }
0x64: {  	_ =	shalt  }
0x65: {  	_ =	shalt  }
0x66: {  	_ =	shalt  }
0x67: {  	_ =	shalt  }
0x68: {  	_ =	shalt  }
0x69: {  	_ =	shalt  }
0x6a: {  	_ =	shalt  }
0x6b: {  	_ =	shalt  }
0x6c: {  	_ =	shalt  }
0x6d: {  	_ =	shalt  }
0x6e: {  	_ =	shalt  }
0x6f: {  	_ =	shalt  }
0x70: {  	_ =	shalt  }
0x71: {  	_ =	shalt  }
0x72: {  	_ =	shalt  }
0x73: {  	_ =	shalt  }
0x74: {  	_ =	shalt  }
0x75: {  	_ =	shalt  }
0x76: {  	_ =	shalt  }
0x77: {  	_ =	shalt  }
0x78: {  	_ =	shalt  }
0x79: {  	_ =	shalt  }
0x7a: {  	_ =	shalt  }
0x7b: {  	_ =	shalt  }
0x7c: {  	_ =	shalt  }
0x7d: {  	_ =	shalt  }
0x7e: {  	_ =	shalt  }
0x7f: {  	_ =	shalt  }
0x80: {  	_ =	shalt  }
0x81: {  	_ =	shalt  }
0x82: {  	_ =	shalt  }
0x83: {  	_ =	shalt  }
0x84: {  	_ =	shalt  }
0x85: {  	_ =	shalt  }
0x86: {  	_ =	shalt  }
0x87: {  	_ =	shalt  }
.Lfunc_end0:
.L_simem_size_0:
called_computation_lowered:
.L_overlay_start_0:
0x88: {  	s2 =	sld [smem:$0x3FD9]  }
0x89: {  	s3 =	sld [smem:$0x3FFE];
	_ =	sdelay $0x1  }
0x8a: {  	s1 =	srdreg.scid  }
0x8b: {  	s0 =	sand.u32 $0x1, s1  }
0x8c: {  	s17 =	sshll.u32 s0, $0xA;
	s2 =	sadd.s32 s3, s2  }
0x8d: {  	s2 =	sadd.s32 s2, s17  }
0x8e: {  	[smem:$0x3FBF] =	sst s2  }
0x8f: {  	_ = 	snop  }
0x90: {  	s2 =	sld [smem:$0x3FC9];
	(tm) =	ssettm $0x1  }
0x91: {  	s18 =	sld [smem:$0x3FFB];
	_ =	sdelay $0x3  }
0x92: {  	_ =	strace s18  }
0x93: {  	s3 =	sld [smem:$0x3FFC];
	_ =	sdelay $0x3  }
0x94: {  	_ =	strace s3  }
0x95: {  	s3 =	sld [smem:$0x3FFD];
	_ =	sdelay $0x3  }
0x96: {  	_ =	strace s3  }
0x97: {  	_ =	strace $0x8FFFFFFF  }
0x98: {  	s19 =	sld [smem:$0x3FDB];
	_ =	sdelay $0x1  }
0x99: {  	s4 =	simm.s32 $_scs_section_size  }
0x9a: {  	s5 =	simm.s32 $_size__tile_overlayer_lowered;
	s6 =	simm.s32 $_tile_overlayer_lowered  }
0x9b: {  	s22 =	simm.s32 $0x1BFF;
	s21 =	sshll.u32 s6, $0x1;
	s3 =	sadd.s32 s4, s19  }
0x9c: {  	s7 =	simm.s32 $0x0;
	s20 =	sshll.u32 s5, $0x1;
	s5 =	sadd.s32 s21, s3  }
0x9d: {  	[timem:s7], [sflag:s22] =	dma.local [hbm:s5], s20  }
0x9e: {  	_ =	swait.ge [sflag:s22], s20  }
0x9f: {  	s4 =	ssub.s32 $0x0, s20;
	[sflag:s22] =	ssyncset.done $0x0  }
0xa0: {  	[sflag:s22] =	ssyncadd.s32 s4;
	_ =	sdelay $0x1  }
0xa1: {  	s23 =	simm.s32 $0x1B8B  }
0xa2: {  	_ =	swait.ge [sflag:s23], $0x1  }
0xa3: {  	[sflag:s23] =	ssyncset.done $0x0  }
0xa4: {  	s25 =	simm.s32 $0x1B8E;
	s24 =	sld [smem:$0x3FFE];
	[sflag:s23] =	ssyncadd.s32 $0xFFFFFFFF  }
0xa5: {  	s26 =	simm.s32 $execute0_lowered;
	[smem:$0x3FD2] =	sst s25  }
0xa6: {  	s5 =	sshll.u32 s26, $0x1;
	_ =	strace $0x80000046;
	[dreg:$0x1] =	wrdreg $0xFFFFFFFF  }
0xa7: {  	s28 =	simm.s32 $_size_execute0_lowered;
	s3 =	sadd.s32 s3, s5;
	[dreg:$0x0] =	wrdreg $0x0  }
0xa8: {  	s5 =	sshll.u32 s28, $0x1;
	[dreg:$0x2] =	wrdreg s3  }
0xa9: {  	[dreg:$0x3] =	wrdreg s5  }
0xaa: {  	[dreg:$0x4] =	wrdreg $0xC0  }
0xab: {  	_ =	task [dreg:s7], $0x5FFFF  }
0xac: {  	[dreg:$0x1] =	wrdreg $0xFFFFFFFF  }
0xad: {  	[dreg:$0x0] =	wrdreg $0x60  }
0xae: {  	[dreg:$0x2] =	wrdreg s2  }
0xaf: {  	[dreg:$0x3] =	wrdreg s24  }
0xb0: {  	[dreg:$0x4] =	wrdreg $0x9  }
0xb1: {  	_ =	task.clear_ibuf [dreg:s7], $0x5FFFF;
	_ =	strace $0x90000046  }
0xb2: {  	s29 =	simm.s32 $0x9;
	_ =	strace $0x80000048  }
0xb3: {  	_ =	swait.ge [sflag:s29], $0x1  }
0xb4: {  	[sflag:s29] =	ssyncadd.s32 $0xFFFFFFFF  }
0xb5: {  	_ =	strace $0x90000048  }
0xb6: {  	_ =	sfence  }
0xb7: {  	s30 =	sld [smem:$0x0];
	_ =	sdelay $0x2  }
0xb8: {  	s31 =	sshll.u32 s1, $0xD;
	s1 =	sshrl.u32 s1, $0x2  }
0xb9: {  	s3 =	sand.u32 $0x4000, s31;
	s1 =	sadd.s32 s1, s30  }
0xba: {  	s0 =	sor.u32 s3, s0;
	s1 =	sshll.u32 s1, $0x11  }
0xbb: {  	s0 =	sor.u32 s1, s0  }
0xbc: {  	s0 =	sadd.s32 $0x8F2B, s0  }
0xbd: {  	[sflag:s0] =	ssyncadd.remote.s32 $0x1  }
0xbe: {  	_ =	sfence.sel $0xFFFF  }
0xbf: {  	[dreg:$0x0] =	wrdreg $0xFFFFFFFF;
	(pc) =	sbr.abs _section_cstart, $3  }
0xc0: {  	[dreg:$0x1] =	wrdreg $0xFFFFFFFF  }
0xc1: {  	_ =	task.clear_ibuf [dreg:s7], $0x2FFFF;
	_ =	strace $0x9FFFFFFF  }
0xc2: {  	(tm) =	ssettm $0x7FFFFFFF  }
0xc3: {  	_ =	shalt  }
tec
execute0_lowered:
.L_overlay_start_1:
0x0: {  	(tag) =	ssettag $0x1  }
0x1: {  	s1 =	srdreg.scid;
	s3 =	rddreg [dreg:$0x0]  }
0x2: {  	s0 =	stileid.u32;
	s5 =	rddreg [dreg:$0x1];
	s2 =	simm.s32 $0x0  }
0x3: {  	s4 =	sand.u32 $0x1, s1;
	s30 =	sshll.u32 s0, $0x1;
	s1 =	rddreg [dreg:$0x2]  }
0x4: {  	s9 =	simm.s32 $0x0;
	[smem:$0x7FF] =	sst s2;
	s6 =	sor.u32 s4, s30  }
0x5: {  	s4 =	ssub.s32 $0x2, s4;
	s7 =	smul.u32 $0xC800, s6;
	s6 =	sshll.u32 s6, $0x4  }
0x6: {  	_ =	strace $0x80000047;
	s8 =	sshrl.u32 s4, $0x1;
	s5 =	sadd.s32 s6, s5  }
0x7: {  	s31 =	ssub.s32 s4, s8;
	s6 =	simm.s32 $0x1;
	s7 =	sshrl.u32 s7, $0x3  }
0x8: {  	s8 =	simm.s32 $0x2;
	s4 =	sadd.s32 $0x1600, s5;
	s3 =	sadd.s32 s3, s7  }
0x9: {  	s5 =	smax.u32 s31, $0x1;
	s7 =	simm.s32 $0xC800;
	s3 =	sadd.s32 $0x154A00, s3  }
.LBB2_1:
0xa: {  	[tilespmem:s2], [sflag:$0x1] =	stream.linear.gather [hbm4b:s3+s2], $0xC800, $0x38;
	[tilespmem:$0xC880] =	vst v63  }
0xb: {  	_ =	swait.ge [sflag:s6], $0xC800  }
0xc: {  	[sflag:s6] =	ssyncset.done $0x0  }
0xd: {  	s11 =	simm.s32 $0x140;
	[sflag:s6] =	ssyncadd.s32 $0xFFFF3800  }
0xe: {  	v4 =	vld [tilespmem:s11+$0xC0]  }
0xf: {  	v5 =	vld [tilespmem:s11+$0xD0]  }
0x10: {  	v9 =	vld [tilespmem:s11+$0xE0]  }
0x11: {  	v10 =	vld [tilespmem:s11+$0xF0]  }
0x12: {  	v0 =	vld [tilespmem:s11+$0x100]  }
0x13: {  	v1 =	vld [tilespmem:s11+$0x110]  }
0x14: {  	v6 =	vld [tilespmem:s11+$0x40]  }
0x15: {  	v7 =	vld [tilespmem:s11+$0x50]  }
0x16: {  	v8 =	vld [tilespmem:s11+$0x60]  }
0x17: {  	v11 =	vld [tilespmem:s11+$0x70]  }
0x18: {  	v3 =	vld [tilespmem:s11+$0x80]  }
0x19: {  	v2 =	vld [tilespmem:s11+$0x90]  }
0x1a: {  	v12 =	vld [tilespmem:s11+$0xFFFFFFC0]  }
0x1b: {  	v13 =	vld [tilespmem:s11+$0xFFFFFFD0]  }
0x1c: {  	v14 =	vld [tilespmem:s11+$0xFFFFFFE0]  }
0x1d: {  	v15 =	vld [tilespmem:s11+$0xFFFFFFF0]  }
0x1e: {  	v16 =	vld [tilespmem:s11+$0xFFFFFF40]  }
0x1f: {  	v17 =	vld [tilespmem:s11+$0xFFFFFF50]  }
0x20: {  	v18 =	vld [tilespmem:s11+$0xFFFFFEC0]  }
0x21: {  	v19 =	vld [tilespmem:s11+$0xFFFFFED0]  }
0x22: {  	v20 =	vld [tilespmem:s11+$0xFFFFFEE0]  }
0x23: {  	v21 =	vld [tilespmem:s11+$0xFFFFFEF0]  }
0x24: {  	v22 =	vld [tilespmem:s11+$0xFFFFFF60]  }
0x25: {  	v23 =	vld [tilespmem:s11+$0xFFFFFF70]  }
0x26: {  	v24 =	vimm.f32 $0.0e+00;
	v25 =	vld [tilespmem:s11+$0x0]  }
0x27: {  	v26 =	vld [tilespmem:s11+$0x10];
	v18 =	vadd.f32 v18, v24;
	v19 =	vadd.f32 v19, v24  }
0x28: {  	v27 =	vld [tilespmem:s11+$0xFFFFFF80];
	v20 =	vadd.f32 v20, v24;
	v21 =	vadd.f32 v21, v24  }
0x29: {  	v62 =	vld [tilespmem:s11+$0xFFFFFF10];
	v16 =	vadd.f32 v16, v18;
	v17 =	vadd.f32 v17, v19  }
0x2a: {  	v63 =	vld [tilespmem:s11+$0xFFFFFFB0];
	v20 =	vadd.f32 v22, v20;
	v21 =	vadd.f32 v23, v21  }
0x2b: {  	v19 =	vld [tilespmem:s11+$0xFFFFFF00];
	v12 =	vadd.f32 v12, v16;
	v13 =	vadd.f32 v13, v17  }
0x2c: {  	v16 =	vld [tilespmem:s11+$0xFFFFFF20];
	v14 =	vadd.f32 v14, v20;
	v15 =	vadd.f32 v15, v21  }
0x2d: {  	v17 =	vld [tilespmem:s11+$0xFFFFFF30];
	v6 =	vadd.f32 v6, v12;
	v12 =	vadd.f32 v7, v13  }
0x2e: {  	v18 =	vld [tilespmem:s11+$0xFFFFFF90];
	v14 =	vadd.f32 v8, v14;
	v11 =	vadd.f32 v11, v15  }
0x2f: {  	v13 =	vld [tilespmem:s11+$0xFFFFFFA0];
	v7 =	vadd.f32 v4, v6;
	v6 =	vadd.f32 v5, v12  }
0x30: {  	v8 =	vld [tilespmem:s11+$0x20];
	v5 =	vadd.f32 v9, v14;
	v4 =	vadd.f32 v10, v11  }
0x31: {  	v10 =	vadd.f32 v19, v24;
	v12 =	vadd.f32 v62, v24;
	v11 =	vld [tilespmem:s11+$0x30]  }
0x32: {  	v9 =	vld [tilespmem:s11+$0xA0];
	v14 =	vadd.f32 v16, v24;
	v16 =	vadd.f32 v17, v24  }
0x33: {  	v17 =	vadd.f32 v27, v10;
	v18 =	vadd.f32 v18, v12;
	v12 =	vld [tilespmem:s11+$0xB0]  }
0x34: {  	v10 =	vld [tilespmem:s11+$0x120];
	v15 =	vadd.f32 v13, v14;
	v14 =	vadd.f32 v63, v16  }
0x35: {  	s10 =	simm.s32 $0x0;
	v13 =	vld [tilespmem:s11+$0x130];
	s11 =	simm.s32 $0x3C0;
	v17 =	vadd.f32 v25, v17;
	v16 =	vadd.f32 v26, v18  }
.LBB2_2:
0x36: {  	v18 =	vld [tilespmem:s11+$0xC0];
	v8 =	vadd.f32 v8, v15;
	v11 =	vadd.f32 v11, v14  }
0x37: {  	v14 =	vld [tilespmem:s11+$0xD0];
	v3 =	vadd.f32 v3, v17;
	v2 =	vadd.f32 v2, v16  }
0x38: {  	v15 =	vld [tilespmem:s11+$0xE0];
	v8 =	vadd.f32 v9, v8;
	v9 =	vadd.f32 v12, v11  }
0x39: {  	v11 =	vld [tilespmem:s11+$0xF0];
	v12 =	vadd.f32 v0, v3;
	v16 =	vadd.f32 v1, v2  }
0x3a: {  	v0 =	vld [tilespmem:s11+$0x100];
	v10 =	vadd.f32 v10, v8;
	v9 =	vadd.f32 v13, v9  }
0x3b: {  	v1 =	vld [tilespmem:s11+$0x110]  }
0x3c: {  	v8 =	vld [tilespmem:s11+$0x40]  }
0x3d: {  	v13 =	vld [tilespmem:s11+$0x50]  }
0x3e: {  	v17 =	vld [tilespmem:s11+$0x60]  }
0x3f: {  	v19 =	vld [tilespmem:s11+$0x70]  }
0x40: {  	v3 =	vld [tilespmem:s11+$0x80]  }
0x41: {  	v2 =	vld [tilespmem:s11+$0x90]  }
0x42: {  	v20 =	vld [tilespmem:s11+$0xFFFFFFC0]  }
0x43: {  	v21 =	vld [tilespmem:s11+$0xFFFFFFD0]  }
0x44: {  	v22 =	vld [tilespmem:s11+$0xFFFFFFE0]  }
0x45: {  	v23 =	vld [tilespmem:s11+$0xFFFFFFF0]  }
0x46: {  	v24 =	vld [tilespmem:s11+$0xFFFFFF40]  }
0x47: {  	v25 =	vld [tilespmem:s11+$0xFFFFFF50]  }
0x48: {  	v26 =	vld [tilespmem:s11+$0xFFFFFEC0]  }
0x49: {  	v27 =	vld [tilespmem:s11+$0xFFFFFED0]  }
0x4a: {  	v28 =	vld [tilespmem:s11+$0xFFFFFEE0]  }
0x4b: {  	v29 =	vld [tilespmem:s11+$0xFFFFFEF0]  }
0x4c: {  	v30 =	vld [tilespmem:s11+$0xFFFFFF60]  }
0x4d: {  	v31 =	vld [tilespmem:s11+$0xFFFFFF70]  }
0x4e: {  	v32 =	vld [tilespmem:s11+$0x0]  }
0x4f: {  	v7 =	vadd.f32 v26, v7;
	v6 =	vadd.f32 v27, v6;
	v26 =	vld [tilespmem:s11+$0x10]  }
0x50: {  	v5 =	vadd.f32 v28, v5;
	v4 =	vadd.f32 v29, v4;
	v27 =	vld [tilespmem:s11+$0xFFFFFF80]  }
0x51: {  	v7 =	vadd.f32 v24, v7;
	v6 =	vadd.f32 v25, v6;
	v24 =	vld [tilespmem:s11+$0xFFFFFF90]  }
0x52: {  	v5 =	vadd.f32 v30, v5;
	v25 =	vld [tilespmem:s11+$0xFFFFFF00];
	v4 =	vadd.f32 v31, v4  }
0x53: {  	v7 =	vadd.f32 v20, v7;
	v6 =	vadd.f32 v21, v6;
	v28 =	vld [tilespmem:s11+$0xFFFFFF10]  }
0x54: {  	v5 =	vadd.f32 v22, v5;
	v20 =	vld [tilespmem:s11+$0xFFFFFF20];
	v4 =	vadd.f32 v23, v4  }
0x55: {  	s10 =	sadd.s32 $0x5, s10;
	v7 =	vadd.f32 v8, v7;
	v6 =	vadd.f32 v13, v6;
	v21 =	vld [tilespmem:s11+$0xFFFFFF30]  }
0x56: {  	p0 =	slt.u32 s10, $0x18B;
	v5 =	vadd.f32 v17, v5;
	v13 =	vld [tilespmem:s11+$0xFFFFFFA0];
	v4 =	vadd.f32 v19, v4  }
0x57: {  	v7 =	vadd.f32 v18, v7;
	v6 =	vadd.f32 v14, v6;
	v17 =	vld [tilespmem:s11+$0xFFFFFFB0]  }
0x58: {  	v5 =	vadd.f32 v15, v5;
	v8 =	vld [tilespmem:s11+$0x20];
	v4 =	vadd.f32 v11, v4  }
.Ltmp0:
0x59: {  	v12 =	vadd.f32 v25, v12;
	v14 =	vadd.f32 v28, v16;
	v11 =	vld [tilespmem:s11+$0x30];
	(pc) =	sbr.rel @p0 .LBB2_2-.Ltmp0, $4  }
0x5a: {  	v10 =	vadd.f32 v20, v10;
	v16 =	vadd.f32 v21, v9;
	v9 =	vld [tilespmem:s11+$0xA0]  }
0x5b: {  	v18 =	vadd.f32 v27, v12;
	v19 =	vadd.f32 v24, v14;
	v12 =	vld [tilespmem:s11+$0xB0]  }
0x5c: {  	v15 =	vadd.f32 v13, v10;
	v14 =	vadd.f32 v17, v16;
	v10 =	vld [tilespmem:s11+$0x120]  }
0x5d: {  	v17 =	vadd.f32 v32, v18;
	v16 =	vadd.f32 v26, v19;
	v13 =	vld [tilespmem:s11+$0x130];
	s11 =	sadd.s32 $0x280, s11  }
0x5e: {  	_ = 	snop  }
0x5f: {  	v8 =	vadd.f32 v8, v15;
	[tilespmem:$0xC800] =	vst v7;
	v3 =	vadd.f32 v3, v17  }
0x60: {  	v59 =	vadd.f32 v11, v14;
	[tilespmem:$0xC810] =	vst v6;
	v2 =	vadd.f32 v2, v16  }
0x61: {  	[tilespmem:$0xC820] =	vst v5;
	v60 =	vadd.f32 v9, v8;
	v0 =	vadd.f32 v0, v3  }
0x62: {  	[tilespmem:$0xC830] =	vst v4;
	v61 =	vadd.f32 v12, v59;
	v1 =	vadd.f32 v1, v2  }
0x63: {  	v62 =	vadd.f32 v10, v60;
	[tilespmem:$0xC840] =	vst v0  }
0x64: {  	s9 =	sadd.s32 $0x1, s9;
	v63 =	vadd.f32 v13, v61;
	[tilespmem:$0xC850] =	vst v1  }
0x65: {  	p0 =	sne.s32 s9, s5;
	[tilespmem:$0xC860] =	vst v62  }
.Ltmp1:
0x66: {  	[tilespmem:$0xC870] =	vst v63;
	(pc) =	sbr.rel @p0 .LBB2_1-.Ltmp1, $4  }
0x67: {  	[hbm4b:s4+s2] =	stream.linear.scatter [tilespmem:s7], [sflag:$0x2], $0x80, $0x38;
	[tilespmem:$0xC880] =	vst v63  }
0x68: {  	_ =	swait.ge [sflag:s8], $0x80  }
0x69: {  	[sflag:s8] =	ssyncset.done $0x0  }
0x6a: {  	[sflag:s8] =	ssyncadd.s32 $0xFFFFFF80  }
0x6b: {  	_ =	sfence.sel $0x180000  }
0x6c: {  	[bflag:$0x0] =	sbarrier.arrive $0xFFFF  }
0x6d: {  	p0 =	sne.s32 s0, $0x0;
	_ =	strace $0x90000047  }
0x6e: {  	s0 =	sadd.s32 @!p0 $0x100000, s1;
	[bflag:$0x2] =	sbarrier.arrive $0xFFFF  }
0x6f: {  	[sflag:s0] =	ssyncadd.tile.s32 @!p0 $0x1;
	_ =	shalt  }
.Lfunc_end2:
_tile_overlayer_lowered:
.L_overlay_start_2:
0x70: {  	(tag) =	ssettag $0x2  }
0x71: {  	s0 =	rddreg [dreg:$0x0];
	s2 =	stileid.u32  }
0x72: {  	s1 =	rddreg [dreg:$0x1];
	p0 =	sne.s32 s2, $0x0  }
0x73: {  	s3 =	rddreg [dreg:$0x2];
	[bflag:$0x3] =	sbarrier.arrive $0xFFFF;
	s2 =	simm.s32 @!p0 $0x1C02  }
0x74: {  	[timem:s3], [sflag:s2] =	dma.local @!p0 [hbm:s0], s1  }
0x75: {  	s0 =	simm.s32 @!p0 $0x2  }
0x76: {  	_ =	swait.ge @!p0 [sflag:s0], s1  }
0x77: {  	s1 =	ssub.s32 @!p0 $0x0, s1;
	[sflag:s0] =	ssyncset.done @!p0 $0x0  }
0x78: {  	[sflag:s0] =	ssyncadd.s32 @!p0 s1  }
0x79: {  	[bflag:$0x3] =	sbarrier.arrive $0xFFFF  }
0x7a: {  	_ =	shalt  }

</sc_bundles>
